<compile_context>
chip_gen: v7x
topology: tpu7x:2x2x1
jax: 0.10.2.dev20260603
libtpu: 0.0.44.dev20260713+nightly
codegen_flags: <defaults>
</compile_context>

<pallas_src>
import functools

import jax
import jax.numpy as jnp
from jax.experimental import pallas as pl
from jax.experimental.pallas import tpu as pltpu
from jax.experimental.pallas import tpu_sc as plsc

BN_EPS = 1e-5

NC = 2
NS = 16
LANES = 16
WIN = 80
NBUF = 3


def _relu_tc(x):
    def body(x_ref, o_ref):
        o_ref[...] = jnp.maximum(x_ref[...], 0.0)

    return pl.pallas_call(
        body, out_shape=jax.ShapeDtypeStruct(x.shape, x.dtype))(x)


def _sc_segment_sum(relu_x, packed3d, n_pad):
    n, d = relu_x.shape
    windows = packed3d.shape[1]
    rows_per_subcore = n_pad // NS
    mesh = plsc.VectorSubcoreMesh(core_axis_name="c", subcore_axis_name="s")

    @functools.partial(
        pl.kernel,
        out_type=jax.ShapeDtypeStruct((NC, n_pad, d), jnp.float32),
        mesh=mesh,
        scratch_types=[
            pltpu.VMEM((windows, WIN), jnp.int32),
            pltpu.VMEM((NBUF, 2, WIN), jnp.int32),
            pltpu.VMEM((NBUF, WIN, d), jnp.float32),
            pltpu.VMEM_SHARED((n_pad, d), jnp.float32),
        ] + [pltpu.SemaphoreType.DMA] * (2 * NBUF),
    )
    def k(relu_x_hbm, pk_hbm, out_hbm, pk, stage, bufs, acc, *sems):
        c = jax.lax.axis_index("c")
        s = jax.lax.axis_index("s")
        wid = c * NS + s
        gsem = sems[:NBUF]
        ssem = sems[NBUF:]

        def unpack(w, p):
            @pl.loop(0, WIN, step=LANES)
            def _(j):
                v = pk.at[w, pl.ds(j, LANES)][...]
                stage.at[p, 0, pl.ds(j, LANES)][...] = (
                    jax.lax.shift_right_logical(v, 15))
                stage.at[p, 1, pl.ds(j, LANES)][...] = (
                    jax.lax.bitwise_and(v, 32767))

        def start_gather(p):
            return pltpu.async_copy(
                relu_x_hbm.at[stage.at[p, 0]], bufs.at[p], gsem[p])

        def wait_gather(p):
            pltpu.make_async_copy(
                relu_x_hbm.at[stage.at[p, 0]], bufs.at[p], gsem[p]).wait()

        def start_scatter(p):
            return pltpu.async_copy(
                bufs.at[p], acc.at[stage.at[p, 1]], ssem[p], add=True)

        def wait_scatter(p):
            pltpu.make_async_copy(
                bufs.at[p], acc.at[stage.at[p, 1]], ssem[p]).wait()

        @pl.loop(0, WIN)
        def _(r):
            @pl.loop(0, d, step=LANES)
            def _(col):
                bufs.at[0, r, pl.ds(col, LANES)][...] = jnp.zeros(
                    (LANES,), jnp.float32)

        row0 = s * rows_per_subcore

        @pl.loop(0, rows_per_subcore, step=WIN)
        def _(r):
            pltpu.sync_copy(bufs.at[0], acc.at[pl.ds(row0 + r, WIN)])

        pltpu.sync_copy(pk_hbm.at[wid], pk)
        plsc.subcore_barrier()

        unpack(0, 0)
        start_gather(0)

        @pl.loop(0, windows, step=NBUF)
        def _(base):
            for j in range(NBUF):
                w = base + j
                p = j
                p_next = (j + 1) % NBUF

                @pl.when(w >= 2)
                def _():
                    wait_scatter(p_next)

                @pl.when(w + 1 < windows)
                def _():
                    unpack(w + 1, p_next)
                    start_gather(p_next)

                wait_gather(p)
                start_scatter(p)

        wait_scatter((windows - 2) % NBUF)
        wait_scatter((windows - 1) % NBUF)

        plsc.subcore_barrier()
        pltpu.sync_copy(acc.at[pl.ds(row0, rows_per_subcore)],
                        out_hbm.at[c].at[pl.ds(row0, rows_per_subcore)])

    return k(relu_x, packed3d)


def _mlp_tc(x, parts, W1, b1, gamma, beta, W2, b2, eps_param):
    n, d = x.shape
    h1_dim = W1.shape[1]

    def body(x_ref, p_ref, w1_ref, b1_ref, g_ref, be_ref, w2_ref, b2_ref,
             eps_ref, o_ref):
        h = (x_ref[...] * (1.0 + eps_ref[0, 0])
             + p_ref[0, :n, :] + p_ref[1, :n, :])
        h1 = jnp.dot(h, w1_ref[...],
                     preferred_element_type=jnp.float32) + b1_ref[...]
        mean = jnp.mean(h1, axis=0, keepdims=True)
        var = jnp.mean((h1 - mean) ** 2, axis=0, keepdims=True)
        h1 = (h1 - mean) / jnp.sqrt(var + BN_EPS) * g_ref[...] + be_ref[...]
        h1 = jnp.maximum(h1, 0.0)
        o_ref[...] = jnp.dot(h1, w2_ref[...],
                             preferred_element_type=jnp.float32) + b2_ref[...]

    return pl.pallas_call(
        body,
        out_shape=jax.ShapeDtypeStruct((n, W2.shape[1]), jnp.float32),
    )(x, parts, W1, b1.reshape(1, h1_dim), gamma.reshape(1, h1_dim),
      beta.reshape(1, h1_dim), W2, b2.reshape(1, W2.shape[1]),
      eps_param.reshape(1, 1))


def kernel(x, edge_index, W1, b1, gamma, beta, W2, b2, eps_param):
    n = x.shape[0]
    e = edge_index.shape[1]
    nw = NC * NS
    n_pad = -(-n // (NS * 128)) * (NS * 128)
    per_w = e // nw
    per_w_pad = -(-per_w // (NBUF * WIN)) * (NBUF * WIN)
    npad_e = per_w_pad - per_w
    windows = per_w_pad // WIN

    relu_x = _relu_tc(x)

    src_w = edge_index[0].reshape(nw, per_w)
    dst_w = edge_index[1].reshape(nw, per_w)
    if npad_e:
        lane = jnp.arange(nw, dtype=jnp.int32)[:, None]
        j = jnp.arange(npad_e, dtype=jnp.int32)[None, :]
        pad_src = (lane * 37 + j * 101) % n
        pad_dst = n + (lane * 7 + j) % (n_pad - n)
        src_w = jnp.concatenate([src_w, pad_src], axis=1)
        dst_w = jnp.concatenate([dst_w, pad_dst], axis=1)
    packed3d = ((src_w << 15) | dst_w).reshape(nw, windows, WIN)

    parts = _sc_segment_sum(relu_x, packed3d, n_pad)
    return _mlp_tc(x, parts, W1, b1, gamma, beta, W2, b2, eps_param)

# --- scband reference (transcript-rebuilt; emitter-appended) ---
"""Pipeline reference for scband-gnn-25898652795349 (READ-ONLY COPY).

The authoritative reference and input builder live on the scoring server;
editing this copy changes nothing except your own understanding.
"""

import jax, jax.numpy as jnp
import numpy as np

N = 10000
E = 320000
D = 128
BN_EPS = 1e-5


def setup_inputs(seed: int = 0) -> dict:
    key = jax.random.key(seed)
    ks = jax.random.split(key, 8)
    x = jax.random.normal(ks[0], (N, D), dtype=jnp.float32)
    edge_index = jax.random.randint(ks[1], (2, E), 0, N, dtype=jnp.int32)
    # MLP: Linear(D, 2D) -> BatchNorm1d(2D) -> ReLU -> Linear(2D, D)
    W1 = jax.random.normal(ks[2], (D, 2 * D), dtype=jnp.float32) * (1.0 / np.sqrt(D))
    b1 = jnp.zeros((2 * D,), dtype=jnp.float32)
    gamma = jnp.ones((2 * D,), dtype=jnp.float32)
    beta = jnp.zeros((2 * D,), dtype=jnp.float32)
    W2 = jax.random.normal(ks[3], (2 * D, D), dtype=jnp.float32) * (1.0 / np.sqrt(2 * D))
    b2 = jnp.zeros((D,), dtype=jnp.float32)
    eps_param = jnp.zeros((1,), dtype=jnp.float32)
    return {"x": x, "edge_index": edge_index, "W1": W1, "b1": b1,
            "gamma": gamma, "beta": beta, "W2": W2, "b2": b2,
            "eps_param": eps_param}


def reference(x, edge_index, W1, b1, gamma, beta, W2, b2, eps_param):
    # GINConvNoEdge.forward: mlp((1 + eps) * x + propagate(edge_index, x=x))
    # message(x_j) = relu(x_j); aggr = 'add' (scatter-add into dst nodes)
    src = edge_index[0]
    dst = edge_index[1]
    msgs = jax.nn.relu(jnp.take(x, src, axis=0))
    agg = jax.ops.segment_sum(msgs, dst, num_segments=x.shape[0])
    h = (1.0 + eps_param) * x + agg
    # MLP with BatchNorm1d in training mode (batch statistics, biased var)
    h1 = h @ W1 + b1
    mean = jnp.mean(h1, axis=0)
    var = jnp.mean((h1 - mean) ** 2, axis=0)
    h1 = (h1 - mean) / jnp.sqrt(var + BN_EPS) * gamma + beta
    h1 = jax.nn.relu(h1)
    out = h1 @ W2 + b2
    return out

if __name__ == "__main__":
    import jax
    _d = setup_inputs()
    print(jax.jit(kernel)(*tuple(_d.values())))

</pallas_src>

<mosaic_0001>
#map = affine_map<(d0, d1) -> (0, 0)>
#map1 = affine_map<(d0, d1) -> (0, 0, 0)>
module attributes {stable_mosaic.version = 14 : i64} {
  func.func @k(%arg0: i32, %arg1: i32, %arg2: memref<10000x128xf32, #tpu.memory_space<hbm>>, %arg3: memref<32x126x80xi32, #tpu.memory_space<hbm>>, %arg4: memref<2x10240x128xf32, #tpu.memory_space<hbm>>, %arg5: memref<126x80xi32, #tpu.memory_space<vmem>>, %arg6: memref<3x2x80xi32, #tpu.memory_space<vmem>>, %arg7: memref<3x80x128xf32, #tpu.memory_space<vmem>>, %arg8: memref<10240x128xf32, #tpu.memory_space<vmem_shared>>, %arg9: memref<!tpu.dma_semaphore, #tpu.memory_space<semaphore_mem>>, %arg10: memref<!tpu.dma_semaphore, #tpu.memory_space<semaphore_mem>>, %arg11: memref<!tpu.dma_semaphore, #tpu.memory_space<semaphore_mem>>, %arg12: memref<!tpu.dma_semaphore, #tpu.memory_space<semaphore_mem>>, %arg13: memref<!tpu.dma_semaphore, #tpu.memory_space<semaphore_mem>>, %arg14: memref<!tpu.dma_semaphore, #tpu.memory_space<semaphore_mem>>) attributes {dimension_semantics = [#tpu.dimension_semantics<core_parallel>, #tpu.dimension_semantics<subcore_parallel>], iteration_bounds = array<i64: 2, 16>, scalar_prefetch = 0 : i64, scratch_operands = 10 : i64, tpu.core_type = #tpu.core_type<sc_vector_subcore>, window_params = [{transform_indices = #map}, {transform_indices = #map1}, {transform_indices = #map1}]} {
    %mul3A = arith.constant 16 : i32
    %mul3A_0 = arith.muli %arg0, %mul3A : i32
    %add3A = arith.addi %mul3A_0, %arg1 : i32
    %scan3A = arith.constant 0 : i32
    %scan3A_1 = arith.constant 80 : i32
    %scan3A_2 = arith.addi %scan3A, %scan3A_1 : i32
    %scan3A_3 = arith.constant 1 : i32
    scf.for %scan3A_60 = %scan3A to %scan3A_2 step %scan3A_3  : i32 {
      %mul3A_61 = arith.constant 1 : i32
      %mul3A_62 = arith.muli %scan3A_60, %mul3A_61 : i32
      %add3A_63 = arith.constant 0 : i32
      %add3A_64 = arith.addi %add3A_63, %mul3A_62 : i32
      %scan3A_65 = arith.constant 0 : i32
      %scan3A_66 = arith.constant 8 : i32
      %scan3A_67 = arith.addi %scan3A_65, %scan3A_66 : i32
      %scan3A_68 = arith.constant 1 : i32
      scf.for %scan3A_70 = %scan3A_65 to %scan3A_67 step %scan3A_68  : i32 {
        %mul3A_71 = arith.constant 16 : i32
        %mul3A_72 = arith.muli %scan3A_70, %mul3A_71 : i32
        %add3A_73 = arith.constant 0 : i32
        %add3A_74 = arith.addi %add3A_73, %mul3A_72 : i32
        %broadcast_in_dim3A = arith.constant 0.000000e+00 : f32
        %broadcast_in_dim3A_75 = vector.broadcast %broadcast_in_dim3A : f32 to vector<16xf32>
        %swap3A = arith.constant 0 : i32
        %swap3A_76 = arith.index_cast %swap3A : i32 to index
        %swap3A_77 = arith.index_cast %add3A_64 : i32 to index
        %swap3A_78 = arith.index_cast %add3A_74 : i32 to index
        %swap3A_79 = tpu.vector_load %arg7[%swap3A_76, %swap3A_77, %swap3A_78] {strides = array<i32>} : memref<3x80x128xf32, #tpu.memory_space<vmem>>, vector<1x1x16xf32>,
        %swap3A_80 = vector.shape_cast %swap3A_79 : vector<1x1x16xf32> to vector<16xf32>
        %swap3A_81 = vector.shape_cast %broadcast_in_dim3A_75 : vector<16xf32> to vector<1x1x16xf32>
        tpu.vector_store %arg7[%swap3A_76, %swap3A_77, %swap3A_78], %swap3A_81 {strides = array<i32>} : memref<3x80x128xf32, #tpu.memory_space<vmem>>, vector<1x1x16xf32>,
      }
      %scan3A_69 = arith.constant 8 : i32
    }
    %scan3A_4 = arith.constant 80 : i32
    %mul3A_5 = arith.constant 640 : i32
    %mul3A_6 = arith.muli %arg1, %mul3A_5 : i32
    %scan3A_7 = arith.constant 0 : i32
    %scan3A_8 = arith.constant 8 : i32
    %scan3A_9 = arith.addi %scan3A_7, %scan3A_8 : i32
    %scan3A_10 = arith.constant 1 : i32
    scf.for %scan3A_60 = %scan3A_7 to %scan3A_9 step %scan3A_10  : i32 {
      %mul3A_61 = arith.constant 80 : i32
      %mul3A_62 = arith.muli %scan3A_60, %mul3A_61 : i32
      %add3A_63 = arith.constant 0 : i32
      %add3A_64 = arith.addi %add3A_63, %mul3A_62 : i32
      %add3A_65 = arith.addi %mul3A_6, %add3A_64 : i32
      %run_scoped3A = arith.constant 0 : i32
      "tpu.region"() ({
        %run_scoped3A_66 = tpu.sem_alloc : memref<!tpu.dma_semaphore, #tpu.memory_space<semaphore_mem>>
        %dma_start3A_67 = arith.constant 0 : i32
        %dma_start3A_68 = arith.constant 0 : i32
        %dma_start3A_69 = tpu.memref_slice %arg7[%run_scoped3A, %dma_start3A_67, %dma_start3A_68] : memref<3x80x128xf32, #tpu.memory_space<vmem>> -> memref<1x80x128xf32, #tpu.memory_space<vmem>>
        %dma_start3A_70 = tpu.memref_squeeze %dma_start3A_69 : memref<1x80x128xf32, #tpu.memory_space<vmem>> -> memref<80x128xf32, #tpu.memory_space<vmem>>
        %dma_start3A_71 = arith.constant 0 : i32
        %dma_start3A_72 = tpu.memref_slice %arg8[%add3A_65, %dma_start3A_71] : memref<10240x128xf32, #tpu.memory_space<vmem_shared>> -> memref<80x128xf32, #tpu.memory_space<vmem_shared>>
        %dma_start3A_73 = arith.constant 0 : i32
        %dma_start3A_74 = tpu.memref_slice %arg8[%add3A_65, %dma_start3A_73] : memref<10240x128xf32, #tpu.memory_space<vmem_shared>> -> memref<80x128xf32, #tpu.memory_space<vmem_shared>>
        %dma_start3A_75 = arith.constant 0 : i32
        %dma_start3A_76 = arith.constant 0 : i32
        %dma_start3A_77 = tpu.memref_slice %arg7[%run_scoped3A, %dma_start3A_75, %dma_start3A_76] : memref<3x80x128xf32, #tpu.memory_space<vmem>> -> memref<1x80x128xf32, #tpu.memory_space<vmem>>
        %dma_start3A_78 = tpu.memref_squeeze %dma_start3A_77 : memref<1x80x128xf32, #tpu.memory_space<vmem>> -> memref<80x128xf32, #tpu.memory_space<vmem>>
        tpu.enqueue_dma source(%dma_start3A_78 : memref<80x128xf32, #tpu.memory_space<vmem>>) target(%dma_start3A_74 : memref<80x128xf32, #tpu.memory_space<vmem_shared>>) target_semaphore(%run_scoped3A_66 : memref<!tpu.dma_semaphore, #tpu.memory_space<semaphore_mem>>)
        %dma_wait3A_79 = arith.constant 0 : i32
        %dma_wait3A_80 = arith.constant 0 : i32
        %dma_wait3A_81 = tpu.memref_slice %arg7[%run_scoped3A, %dma_wait3A_79, %dma_wait3A_80] : memref<3x80x128xf32, #tpu.memory_space<vmem>> -> memref<1x80x128xf32, #tpu.memory_space<vmem>>
        %dma_wait3A_82 = tpu.memref_squeeze %dma_wait3A_81 : memref<1x80x128xf32, #tpu.memory_space<vmem>> -> memref<80x128xf32, #tpu.memory_space<vmem>>
        %dma_wait3A_83 = arith.constant 0 : i32
        %dma_wait3A_84 = tpu.memref_slice %arg8[%add3A_65, %dma_wait3A_83] : memref<10240x128xf32, #tpu.memory_space<vmem_shared>> -> memref<80x128xf32, #tpu.memory_space<vmem_shared>>
        %dma_wait3A_85 = arith.constant 0 : i32
        %dma_wait3A_86 = tpu.memref_slice %arg8[%add3A_65, %dma_wait3A_85] : memref<10240x128xf32, #tpu.memory_space<vmem_shared>> -> memref<80x128xf32, #tpu.memory_space<vmem_shared>>
        %dma_wait3A_87 = arith.constant 0 : i32
        %dma_wait3A_88 = arith.constant 0 : i32
        %dma_wait3A_89 = tpu.memref_slice %arg7[%run_scoped3A, %dma_wait3A_87, %dma_wait3A_88] : memref<3x80x128xf32, #tpu.memory_space<vmem>> -> memref<1x80x128xf32, #tpu.memory_space<vmem>>
        %dma_wait3A_90 = tpu.memref_squeeze %dma_wait3A_89 : memref<1x80x128xf32, #tpu.memory_space<vmem>> -> memref<80x128xf32, #tpu.memory_space<vmem>>
        tpu.wait_dma2 semaphore(%run_scoped3A_66 : memref<!tpu.dma_semaphore, #tpu.memory_space<semaphore_mem>>) src(%dma_wait3A_90 : memref<80x128xf32, #tpu.memory_space<vmem>>) dst(%dma_wait3A_86 : memref<80x128xf32, #tpu.memory_space<vmem_shared>>)
        tpu.yield
      }) : () -> ()
    }
    %scan3A_11 = arith.constant 8 : i32
    "tpu.region"() ({
      %run_scoped3A = tpu.sem_alloc : memref<!tpu.dma_semaphore, #tpu.memory_space<semaphore_mem>>
      %dma_start3A_60 = arith.constant 0 : i32
      %dma_start3A_61 = arith.constant 0 : i32
      %dma_start3A_62 = tpu.memref_slice %arg3[%add3A, %dma_start3A_60, %dma_start3A_61] : memref<32x126x80xi32, #tpu.memory_space<hbm>> -> memref<1x126x80xi32, #tpu.memory_space<hbm>>
      %dma_start3A_63 = tpu.memref_squeeze %dma_start3A_62 : memref<1x126x80xi32, #tpu.memory_space<hbm>> -> memref<126x80xi32, #tpu.memory_space<hbm>>
      %dma_start3A_64 = arith.constant 0 : i32
      %dma_start3A_65 = arith.constant 0 : i32
      %dma_start3A_66 = tpu.memref_slice %arg3[%add3A, %dma_start3A_64, %dma_start3A_65] : memref<32x126x80xi32, #tpu.memory_space<hbm>> -> memref<1x126x80xi32, #tpu.memory_space<hbm>>
      %dma_start3A_67 = tpu.memref_squeeze %dma_start3A_66 : memref<1x126x80xi32, #tpu.memory_space<hbm>> -> memref<126x80xi32, #tpu.memory_space<hbm>>
      tpu.enqueue_dma source(%dma_start3A_67 : memref<126x80xi32, #tpu.memory_space<hbm>>) target(%arg5 : memref<126x80xi32, #tpu.memory_space<vmem>>) target_semaphore(%run_scoped3A : memref<!tpu.dma_semaphore, #tpu.memory_space<semaphore_mem>>)
      %dma_wait3A_68 = arith.constant 0 : i32
      %dma_wait3A_69 = arith.constant 0 : i32
      %dma_wait3A_70 = tpu.memref_slice %arg3[%add3A, %dma_wait3A_68, %dma_wait3A_69] : memref<32x126x80xi32, #tpu.memory_space<hbm>> -> memref<1x126x80xi32, #tpu.memory_space<hbm>>
      %dma_wait3A_71 = tpu.memref_squeeze %dma_wait3A_70 : memref<1x126x80xi32, #tpu.memory_space<hbm>> -> memref<126x80xi32, #tpu.memory_space<hbm>>
      %dma_wait3A_72 = arith.constant 0 : i32
      %dma_wait3A_73 = arith.constant 0 : i32
      %dma_wait3A_74 = tpu.memref_slice %arg3[%add3A, %dma_wait3A_72, %dma_wait3A_73] : memref<32x126x80xi32, #tpu.memory_space<hbm>> -> memref<1x126x80xi32, #tpu.memory_space<hbm>>
      %dma_wait3A_75 = tpu.memref_squeeze %dma_wait3A_74 : memref<1x126x80xi32, #tpu.memory_space<hbm>> -> memref<126x80xi32, #tpu.memory_space<hbm>>
      tpu.wait_dma2 semaphore(%run_scoped3A : memref<!tpu.dma_semaphore, #tpu.memory_space<semaphore_mem>>) src(%dma_wait3A_75 : memref<126x80xi32, #tpu.memory_space<hbm>>) dst(%arg5 : memref<126x80xi32, #tpu.memory_space<vmem>>)
      tpu.yield
    }) : () -> ()
    %barrier3A = arith.constant 0 : index
    tpu.barrier barrier_id(%barrier3A)
    %scan3A_12 = arith.constant 0 : i32
    %scan3A_13 = arith.constant 5 : i32
    %scan3A_14 = arith.addi %scan3A_12, %scan3A_13 : i32
    %scan3A_15 = arith.constant 1 : i32
    scf.for %scan3A_60 = %scan3A_12 to %scan3A_14 step %scan3A_15  : i32 {
      %mul3A_61 = arith.constant 16 : i32
      %mul3A_62 = arith.muli %scan3A_60, %mul3A_61 : i32
      %add3A_63 = arith.constant 0 : i32
      %add3A_64 = arith.addi %add3A_63, %mul3A_62 : i32
      %get3A = arith.constant 0 : i32
      %get3A_65 = arith.index_cast %get3A : i32 to index
      %get3A_66 = arith.index_cast %add3A_64 : i32 to index
      %get3A_67 = tpu.vector_load %arg5[%get3A_65, %get3A_66] {strides = array<i32>} : memref<126x80xi32, #tpu.memory_space<vmem>>, vector<1x16xi32>,
      %get3A_68 = vector.shape_cast %get3A_67 : vector<1x16xi32> to vector<16xi32>
      %shift_right_logical3A = arith.constant 15 : i32
      %shift_right_logical3A_69 = vector.broadcast %shift_right_logical3A : i32 to vector<16xi32>
      %shift_right_logical3A_70 = arith.shrui %get3A_68, %shift_right_logical3A_69 : vector<16xi32>
      %swap3A = arith.constant 0 : i32
      %swap3A_71 = arith.constant 0 : i32
      %swap3A_72 = arith.index_cast %swap3A : i32 to index
      %swap3A_73 = arith.index_cast %swap3A_71 : i32 to index
      %swap3A_74 = arith.index_cast %add3A_64 : i32 to index
      %swap3A_75 = tpu.vector_load %arg6[%swap3A_72, %swap3A_73, %swap3A_74] {strides = array<i32>} : memref<3x2x80xi32, #tpu.memory_space<vmem>>, vector<1x1x16xi32>,
      %swap3A_76 = vector.shape_cast %swap3A_75 : vector<1x1x16xi32> to vector<16xi32>
      %swap3A_77 = vector.shape_cast %shift_right_logical3A_70 : vector<16xi32> to vector<1x1x16xi32>
      tpu.vector_store %arg6[%swap3A_72, %swap3A_73, %swap3A_74], %swap3A_77 {strides = array<i32>} : memref<3x2x80xi32, #tpu.memory_space<vmem>>, vector<1x1x16xi32>,
      %and3A = arith.constant 32767 : i32
      %and3A_78 = vector.broadcast %and3A : i32 to vector<16xi32>
      %and3A_79 = arith.andi %get3A_68, %and3A_78 : vector<16xi32>
      %swap3A_80 = arith.constant 0 : i32
      %swap3A_81 = arith.constant 1 : i32
      %swap3A_82 = arith.index_cast %swap3A_80 : i32 to index
      %swap3A_83 = arith.index_cast %swap3A_81 : i32 to index
      %swap3A_84 = arith.index_cast %add3A_64 : i32 to index
      %swap3A_85 = tpu.vector_load %arg6[%swap3A_82, %swap3A_83, %swap3A_84] {strides = array<i32>} : memref<3x2x80xi32, #tpu.memory_space<vmem>>, vector<1x1x16xi32>,
      %swap3A_86 = vector.shape_cast %swap3A_85 : vector<1x1x16xi32> to vector<16xi32>
      %swap3A_87 = vector.shape_cast %and3A_79 : vector<16xi32> to vector<1x1x16xi32>
      tpu.vector_store %arg6[%swap3A_82, %swap3A_83, %swap3A_84], %swap3A_87 {strides = array<i32>} : memref<3x2x80xi32, #tpu.memory_space<vmem>>, vector<1x1x16xi32>,
    }
    %scan3A_16 = arith.constant 5 : i32
    %dma_start3A = arith.constant 0 : i32
    %dma_start3A_17 = arith.constant 0 : i32
    %dma_start3A_18 = arith.constant 0 : i32
    %dma_start3A_19 = arith.constant 0 : i32
    %dma_start3A_20 = arith.constant 0 : i32
    %dma_start3A_21 = tpu.memref_slice %arg7[%dma_start3A_18, %dma_start3A_19, %dma_start3A_20] : memref<3x80x128xf32, #tpu.memory_space<vmem>> -> memref<1x80x128xf32, #tpu.memory_space<vmem>>
    %dma_start3A_22 = tpu.memref_squeeze %dma_start3A_21 : memref<1x80x128xf32, #tpu.memory_space<vmem>> -> memref<80x128xf32, #tpu.memory_space<vmem>>
    %dma_start3A_23 = arith.constant 0 : i32
    %dma_start3A_24 = tpu.memref_slice %arg6[%dma_start3A, %dma_start3A_17, %dma_start3A_23] : memref<3x2x80xi32, #tpu.memory_space<vmem>> -> memref<1x1x80xi32, #tpu.memory_space<vmem>>
    %dma_start3A_25 = tpu.memref_squeeze %dma_start3A_24 : memref<1x1x80xi32, #tpu.memory_space<vmem>> -> memref<80xi32, #tpu.memory_space<vmem>>
    %dma_start3A_26 = arith.constant 0 : i32
    %dma_start3A_27 = arith.constant 0 : i32
    %dma_start3A_28 = tpu.memref_slice %arg2[%dma_start3A_26, %dma_start3A_27] : memref<10000x128xf32, #tpu.memory_space<hbm>> -> memref<10000x128xf32, #tpu.memory_space<hbm>>
    tpu.enqueue_indirect_dma source(%dma_start3A_28 : memref<10000x128xf32, #tpu.memory_space<hbm>>) target(%dma_start3A_22 : memref<80x128xf32, #tpu.memory_space<vmem>>) offsets(%dma_start3A_25 : memref<80xi32, #tpu.memory_space<vmem>>) semaphore(%arg9 : memref<!tpu.dma_semaphore, #tpu.memory_space<semaphore_mem>>)
    %scan3A_29 = arith.constant 0 : i32
    %scan3A_30 = arith.constant 42 : i32
    %scan3A_31 = arith.addi %scan3A_29, %scan3A_30 : i32
    %scan3A_32 = arith.constant 1 : i32
    scf.for %scan3A_60 = %scan3A_29 to %scan3A_31 step %scan3A_32  : i32 {
      %mul3A_61 = arith.constant 3 : i32
      %mul3A_62 = arith.muli %scan3A_60, %mul3A_61 : i32
      %add3A_63 = arith.constant 0 : i32
      %add3A_64 = arith.addi %add3A_63, %mul3A_62 : i32
      %add3A_65 = arith.constant 0 : i32
      %add3A_66 = arith.addi %add3A_64, %add3A_65 : i32
      %ge3A = arith.constant 2 : i32
      %ge3A_67 = arith.cmpi sge, %add3A_66, %ge3A : i32
      %convert_element_type3A = arith.extui %ge3A_67 : i1 to i32
      %cond3A = arith.constant 0 : i32
      %cond3A_68 = arith.cmpi ne, %convert_element_type3A, %cond3A : i32
      scf.if %cond3A_68 {
        %dma_wait3A_181 = arith.constant 1 : i32
        %dma_wait3A_182 = arith.constant 1 : i32
        %dma_wait3A_183 = arith.constant 1 : i32
        %dma_wait3A_184 = arith.constant 0 : i32
        %dma_wait3A_185 = arith.constant 0 : i32
        %dma_wait3A_186 = tpu.memref_slice %arg7[%dma_wait3A_181, %dma_wait3A_184, %dma_wait3A_185] : memref<3x80x128xf32, #tpu.memory_space<vmem>> -> memref<1x80x128xf32, #tpu.memory_space<vmem>>
        %dma_wait3A_187 = tpu.memref_squeeze %dma_wait3A_186 : memref<1x80x128xf32, #tpu.memory_space<vmem>> -> memref<80x128xf32, #tpu.memory_space<vmem>>
        %dma_wait3A_188 = arith.constant 0 : i32
        %dma_wait3A_189 = tpu.memref_slice %arg6[%dma_wait3A_182, %dma_wait3A_183, %dma_wait3A_188] : memref<3x2x80xi32, #tpu.memory_space<vmem>> -> memref<1x1x80xi32, #tpu.memory_space<vmem>>
        %dma_wait3A_190 = tpu.memref_squeeze %dma_wait3A_189 : memref<1x1x80xi32, #tpu.memory_space<vmem>> -> memref<80xi32, #tpu.memory_space<vmem>>
        %dma_wait3A_191 = arith.constant 0 : i32
        %dma_wait3A_192 = arith.constant 0 : i32
        %dma_wait3A_193 = tpu.memref_slice %arg8[%dma_wait3A_191, %dma_wait3A_192] : memref<10240x128xf32, #tpu.memory_space<vmem_shared>> -> memref<10240x128xf32, #tpu.memory_space<vmem_shared>>
        tpu.wait_indirect_dma semaphore(%arg13 : memref<!tpu.dma_semaphore, #tpu.memory_space<semaphore_mem>>) src(%dma_wait3A_187 : memref<80x128xf32, #tpu.memory_space<vmem>>) dst(%dma_wait3A_193 : memref<10240x128xf32, #tpu.memory_space<vmem_shared>>)
      } else {
      }
      %add3A_69 = arith.constant 1 : i32
      %add3A_70 = arith.addi %add3A_66, %add3A_69 : i32
      %lt3A = arith.constant 126 : i32
      %lt3A_71 = arith.cmpi slt, %add3A_70, %lt3A : i32
      %convert_element_type3A_72 = arith.extui %lt3A_71 : i1 to i32
      %cond3A_73 = arith.constant 0 : i32
      %cond3A_74 = arith.cmpi ne, %convert_element_type3A_72, %cond3A_73 : i32
      scf.if %cond3A_74 {
        %add3A_181 = arith.constant 1 : i32
        %add3A_182 = arith.addi %add3A_66, %add3A_181 : i32
        %scan3A_183 = arith.constant 0 : i32
        %scan3A_184 = arith.constant 5 : i32
        %scan3A_185 = arith.addi %scan3A_183, %scan3A_184 : i32
        %scan3A_186 = arith.constant 1 : i32
        scf.for %scan3A_201 = %scan3A_183 to %scan3A_185 step %scan3A_186  : i32 {
          %mul3A_202 = arith.constant 16 : i32
          %mul3A_203 = arith.muli %scan3A_201, %mul3A_202 : i32
          %add3A_204 = arith.constant 0 : i32
          %add3A_205 = arith.addi %add3A_204, %mul3A_203 : i32
          %get3A = arith.index_cast %add3A_182 : i32 to index
          %get3A_206 = arith.index_cast %add3A_205 : i32 to index
          %get3A_207 = tpu.vector_load %arg5[%get3A, %get3A_206] {strides = array<i32>} : memref<126x80xi32, #tpu.memory_space<vmem>>, vector<1x16xi32>,
          %get3A_208 = vector.shape_cast %get3A_207 : vector<1x16xi32> to vector<16xi32>
          %shift_right_logical3A = arith.constant 15 : i32
          %shift_right_logical3A_209 = vector.broadcast %shift_right_logical3A : i32 to vector<16xi32>
          %shift_right_logical3A_210 = arith.shrui %get3A_208, %shift_right_logical3A_209 : vector<16xi32>
          %swap3A = arith.constant 1 : i32
          %swap3A_211 = arith.constant 0 : i32
          %swap3A_212 = arith.index_cast %swap3A : i32 to index
          %swap3A_213 = arith.index_cast %swap3A_211 : i32 to index
          %swap3A_214 = arith.index_cast %add3A_205 : i32 to index
          %swap3A_215 = tpu.vector_load %arg6[%swap3A_212, %swap3A_213, %swap3A_214] {strides = array<i32>} : memref<3x2x80xi32, #tpu.memory_space<vmem>>, vector<1x1x16xi32>,
          %swap3A_216 = vector.shape_cast %swap3A_215 : vector<1x1x16xi32> to vector<16xi32>
          %swap3A_217 = vector.shape_cast %shift_right_logical3A_210 : vector<16xi32> to vector<1x1x16xi32>
          tpu.vector_store %arg6[%swap3A_212, %swap3A_213, %swap3A_214], %swap3A_217 {strides = array<i32>} : memref<3x2x80xi32, #tpu.memory_space<vmem>>, vector<1x1x16xi32>,
          %and3A = arith.constant 32767 : i32
          %and3A_218 = vector.broadcast %and3A : i32 to vector<16xi32>
          %and3A_219 = arith.andi %get3A_208, %and3A_218 : vector<16xi32>
          %swap3A_220 = arith.constant 1 : i32
          %swap3A_221 = arith.constant 1 : i32
          %swap3A_222 = arith.index_cast %swap3A_220 : i32 to index
          %swap3A_223 = arith.index_cast %swap3A_221 : i32 to index
          %swap3A_224 = arith.index_cast %add3A_205 : i32 to index
          %swap3A_225 = tpu.vector_load %arg6[%swap3A_222, %swap3A_223, %swap3A_224] {strides = array<i32>} : memref<3x2x80xi32, #tpu.memory_space<vmem>>, vector<1x1x16xi32>,
          %swap3A_226 = vector.shape_cast %swap3A_225 : vector<1x1x16xi32> to vector<16xi32>
          %swap3A_227 = vector.shape_cast %and3A_219 : vector<16xi32> to vector<1x1x16xi32>
          tpu.vector_store %arg6[%swap3A_222, %swap3A_223, %swap3A_224], %swap3A_227 {strides = array<i32>} : memref<3x2x80xi32, #tpu.memory_space<vmem>>, vector<1x1x16xi32>,
        }
        %scan3A_187 = arith.constant 5 : i32
        %dma_start3A_188 = arith.constant 1 : i32
        %dma_start3A_189 = arith.constant 0 : i32
        %dma_start3A_190 = arith.constant 1 : i32
        %dma_start3A_191 = arith.constant 0 : i32
        %dma_start3A_192 = arith.constant 0 : i32
        %dma_start3A_193 = tpu.memref_slice %arg7[%dma_start3A_190, %dma_start3A_191, %dma_start3A_192] : memref<3x80x128xf32, #tpu.memory_space<vmem>> -> memref<1x80x128xf32, #tpu.memory_space<vmem>>
        %dma_start3A_194 = tpu.memref_squeeze %dma_start3A_193 : memref<1x80x128xf32, #tpu.memory_space<vmem>> -> memref<80x128xf32, #tpu.memory_space<vmem>>
        %dma_start3A_195 = arith.constant 0 : i32
        %dma_start3A_196 = tpu.memref_slice %arg6[%dma_start3A_188, %dma_start3A_189, %dma_start3A_195] : memref<3x2x80xi32, #tpu.memory_space<vmem>> -> memref<1x1x80xi32, #tpu.memory_space<vmem>>
        %dma_start3A_197 = tpu.memref_squeeze %dma_start3A_196 : memref<1x1x80xi32, #tpu.memory_space<vmem>> -> memref<80xi32, #tpu.memory_space<vmem>>
        %dma_start3A_198 = arith.constant 0 : i32
        %dma_start3A_199 = arith.constant 0 : i32
        %dma_start3A_200 = tpu.memref_slice %arg2[%dma_start3A_198, %dma_start3A_199] : memref<10000x128xf32, #tpu.memory_space<hbm>> -> memref<10000x128xf32, #tpu.memory_space<hbm>>
        tpu.enqueue_indirect_dma source(%dma_start3A_200 : memref<10000x128xf32, #tpu.memory_space<hbm>>) target(%dma_start3A_194 : memref<80x128xf32, #tpu.memory_space<vmem>>) offsets(%dma_start3A_197 : memref<80xi32, #tpu.memory_space<vmem>>) semaphore(%arg10 : memref<!tpu.dma_semaphore, #tpu.memory_space<semaphore_mem>>)
      } else {
      }
      %dma_wait3A_75 = arith.constant 0 : i32
      %dma_wait3A_76 = arith.constant 0 : i32
      %dma_wait3A_77 = arith.constant 0 : i32
      %dma_wait3A_78 = arith.constant 0 : i32
      %dma_wait3A_79 = arith.constant 0 : i32
      %dma_wait3A_80 = tpu.memref_slice %arg7[%dma_wait3A_77, %dma_wait3A_78, %dma_wait3A_79] : memref<3x80x128xf32, #tpu.memory_space<vmem>> -> memref<1x80x128xf32, #tpu.memory_space<vmem>>
      %dma_wait3A_81 = tpu.memref_squeeze %dma_wait3A_80 : memref<1x80x128xf32, #tpu.memory_space<vmem>> -> memref<80x128xf32, #tpu.memory_space<vmem>>
      %dma_wait3A_82 = arith.constant 0 : i32
      %dma_wait3A_83 = tpu.memref_slice %arg6[%dma_wait3A_75, %dma_wait3A_76, %dma_wait3A_82] : memref<3x2x80xi32, #tpu.memory_space<vmem>> -> memref<1x1x80xi32, #tpu.memory_space<vmem>>
      %dma_wait3A_84 = tpu.memref_squeeze %dma_wait3A_83 : memref<1x1x80xi32, #tpu.memory_space<vmem>> -> memref<80xi32, #tpu.memory_space<vmem>>
      %dma_wait3A_85 = arith.constant 0 : i32
      %dma_wait3A_86 = arith.constant 0 : i32
      %dma_wait3A_87 = tpu.memref_slice %arg2[%dma_wait3A_85, %dma_wait3A_86] : memref<10000x128xf32, #tpu.memory_space<hbm>> -> memref<10000x128xf32, #tpu.memory_space<hbm>>
      tpu.wait_indirect_dma semaphore(%arg9 : memref<!tpu.dma_semaphore, #tpu.memory_space<semaphore_mem>>) src(%dma_wait3A_87 : memref<10000x128xf32, #tpu.memory_space<hbm>>) dst(%dma_wait3A_81 : memref<80x128xf32, #tpu.memory_space<vmem>>)
      %dma_start3A_88 = arith.constant 0 : i32
      %dma_start3A_89 = arith.constant 0 : i32
      %dma_start3A_90 = arith.constant 1 : i32
      %dma_start3A_91 = arith.constant 0 : i32
      %dma_start3A_92 = arith.constant 0 : i32
      %dma_start3A_93 = tpu.memref_slice %arg7[%dma_start3A_88, %dma_start3A_91, %dma_start3A_92] : memref<3x80x128xf32, #tpu.memory_space<vmem>> -> memref<1x80x128xf32, #tpu.memory_space<vmem>>
      %dma_start3A_94 = tpu.memref_squeeze %dma_start3A_93 : memref<1x80x128xf32, #tpu.memory_space<vmem>> -> memref<80x128xf32, #tpu.memory_space<vmem>>
      %dma_start3A_95 = arith.constant 0 : i32
      %dma_start3A_96 = tpu.memref_slice %arg6[%dma_start3A_89, %dma_start3A_90, %dma_start3A_95] : memref<3x2x80xi32, #tpu.memory_space<vmem>> -> memref<1x1x80xi32, #tpu.memory_space<vmem>>
      %dma_start3A_97 = tpu.memref_squeeze %dma_start3A_96 : memref<1x1x80xi32, #tpu.memory_space<vmem>> -> memref<80xi32, #tpu.memory_space<vmem>>
      %dma_start3A_98 = arith.constant 0 : i32
      %dma_start3A_99 = arith.constant 0 : i32
      %dma_start3A_100 = tpu.memref_slice %arg8[%dma_start3A_98, %dma_start3A_99] : memref<10240x128xf32, #tpu.memory_space<vmem_shared>> -> memref<10240x128xf32, #tpu.memory_space<vmem_shared>>
      tpu.enqueue_indirect_dma source(%dma_start3A_94 : memref<80x128xf32, #tpu.memory_space<vmem>>) target(%dma_start3A_100 : memref<10240x128xf32, #tpu.memory_space<vmem_shared>>) offsets(%dma_start3A_97 : memref<80xi32, #tpu.memory_space<vmem>>) semaphore(%arg12 : memref<!tpu.dma_semaphore, #tpu.memory_space<semaphore_mem>>) {add = true}
      %add3A_101 = arith.constant 1 : i32
      %add3A_102 = arith.addi %add3A_64, %add3A_101 : i32
      %ge3A_103 = arith.constant 2 : i32
      %ge3A_104 = arith.cmpi sge, %add3A_102, %ge3A_103 : i32
      %convert_element_type3A_105 = arith.extui %ge3A_104 : i1 to i32
      %cond3A_106 = arith.constant 0 : i32
      %cond3A_107 = arith.cmpi ne, %convert_element_type3A_105, %cond3A_106 : i32
      scf.if %cond3A_107 {
        %dma_wait3A_181 = arith.constant 2 : i32
        %dma_wait3A_182 = arith.constant 2 : i32
        %dma_wait3A_183 = arith.constant 1 : i32
        %dma_wait3A_184 = arith.constant 0 : i32
        %dma_wait3A_185 = arith.constant 0 : i32
        %dma_wait3A_186 = tpu.memref_slice %arg7[%dma_wait3A_181, %dma_wait3A_184, %dma_wait3A_185] : memref<3x80x128xf32, #tpu.memory_space<vmem>> -> memref<1x80x128xf32, #tpu.memory_space<vmem>>
        %dma_wait3A_187 = tpu.memref_squeeze %dma_wait3A_186 : memref<1x80x128xf32, #tpu.memory_space<vmem>> -> memref<80x128xf32, #tpu.memory_space<vmem>>
        %dma_wait3A_188 = arith.constant 0 : i32
        %dma_wait3A_189 = tpu.memref_slice %arg6[%dma_wait3A_182, %dma_wait3A_183, %dma_wait3A_188] : memref<3x2x80xi32, #tpu.memory_space<vmem>> -> memref<1x1x80xi32, #tpu.memory_space<vmem>>
        %dma_wait3A_190 = tpu.memref_squeeze %dma_wait3A_189 : memref<1x1x80xi32, #tpu.memory_space<vmem>> -> memref<80xi32, #tpu.memory_space<vmem>>
        %dma_wait3A_191 = arith.constant 0 : i32
        %dma_wait3A_192 = arith.constant 0 : i32
        %dma_wait3A_193 = tpu.memref_slice %arg8[%dma_wait3A_191, %dma_wait3A_192] : memref<10240x128xf32, #tpu.memory_space<vmem_shared>> -> memref<10240x128xf32, #tpu.memory_space<vmem_shared>>
        tpu.wait_indirect_dma semaphore(%arg14 : memref<!tpu.dma_semaphore, #tpu.memory_space<semaphore_mem>>) src(%dma_wait3A_187 : memref<80x128xf32, #tpu.memory_space<vmem>>) dst(%dma_wait3A_193 : memref<10240x128xf32, #tpu.memory_space<vmem_shared>>)
      } else {
      }
      %add3A_108 = arith.constant 1 : i32
      %add3A_109 = arith.addi %add3A_102, %add3A_108 : i32
      %lt3A_110 = arith.constant 126 : i32
      %lt3A_111 = arith.cmpi slt, %add3A_109, %lt3A_110 : i32
      %convert_element_type3A_112 = arith.extui %lt3A_111 : i1 to i32
      %cond3A_113 = arith.constant 0 : i32
      %cond3A_114 = arith.cmpi ne, %convert_element_type3A_112, %cond3A_113 : i32
      scf.if %cond3A_114 {
        %add3A_181 = arith.constant 1 : i32
        %add3A_182 = arith.addi %add3A_102, %add3A_181 : i32
        %scan3A_183 = arith.constant 0 : i32
        %scan3A_184 = arith.constant 5 : i32
        %scan3A_185 = arith.addi %scan3A_183, %scan3A_184 : i32
        %scan3A_186 = arith.constant 1 : i32
        scf.for %scan3A_201 = %scan3A_183 to %scan3A_185 step %scan3A_186  : i32 {
          %mul3A_202 = arith.constant 16 : i32
          %mul3A_203 = arith.muli %scan3A_201, %mul3A_202 : i32
          %add3A_204 = arith.constant 0 : i32
          %add3A_205 = arith.addi %add3A_204, %mul3A_203 : i32
          %get3A = arith.index_cast %add3A_182 : i32 to index
          %get3A_206 = arith.index_cast %add3A_205 : i32 to index
          %get3A_207 = tpu.vector_load %arg5[%get3A, %get3A_206] {strides = array<i32>} : memref<126x80xi32, #tpu.memory_space<vmem>>, vector<1x16xi32>,
          %get3A_208 = vector.shape_cast %get3A_207 : vector<1x16xi32> to vector<16xi32>
          %shift_right_logical3A = arith.constant 15 : i32
          %shift_right_logical3A_209 = vector.broadcast %shift_right_logical3A : i32 to vector<16xi32>
          %shift_right_logical3A_210 = arith.shrui %get3A_208, %shift_right_logical3A_209 : vector<16xi32>
          %swap3A = arith.constant 2 : i32
          %swap3A_211 = arith.constant 0 : i32
          %swap3A_212 = arith.index_cast %swap3A : i32 to index
          %swap3A_213 = arith.index_cast %swap3A_211 : i32 to index
          %swap3A_214 = arith.index_cast %add3A_205 : i32 to index
          %swap3A_215 = tpu.vector_load %arg6[%swap3A_212, %swap3A_213, %swap3A_214] {strides = array<i32>} : memref<3x2x80xi32, #tpu.memory_space<vmem>>, vector<1x1x16xi32>,
          %swap3A_216 = vector.shape_cast %swap3A_215 : vector<1x1x16xi32> to vector<16xi32>
          %swap3A_217 = vector.shape_cast %shift_right_logical3A_210 : vector<16xi32> to vector<1x1x16xi32>
          tpu.vector_store %arg6[%swap3A_212, %swap3A_213, %swap3A_214], %swap3A_217 {strides = array<i32>} : memref<3x2x80xi32, #tpu.memory_space<vmem>>, vector<1x1x16xi32>,
          %and3A = arith.constant 32767 : i32
          %and3A_218 = vector.broadcast %and3A : i32 to vector<16xi32>
          %and3A_219 = arith.andi %get3A_208, %and3A_218 : vector<16xi32>
          %swap3A_220 = arith.constant 2 : i32
          %swap3A_221 = arith.constant 1 : i32
          %swap3A_222 = arith.index_cast %swap3A_220 : i32 to index
          %swap3A_223 = arith.index_cast %swap3A_221 : i32 to index
          %swap3A_224 = arith.index_cast %add3A_205 : i32 to index
          %swap3A_225 = tpu.vector_load %arg6[%swap3A_222, %swap3A_223, %swap3A_224] {strides = array<i32>} : memref<3x2x80xi32, #tpu.memory_space<vmem>>, vector<1x1x16xi32>,
          %swap3A_226 = vector.shape_cast %swap3A_225 : vector<1x1x16xi32> to vector<16xi32>
          %swap3A_227 = vector.shape_cast %and3A_219 : vector<16xi32> to vector<1x1x16xi32>
          tpu.vector_store %arg6[%swap3A_222, %swap3A_223, %swap3A_224], %swap3A_227 {strides = array<i32>} : memref<3x2x80xi32, #tpu.memory_space<vmem>>, vector<1x1x16xi32>,
        }
        %scan3A_187 = arith.constant 5 : i32
        %dma_start3A_188 = arith.constant 2 : i32
        %dma_start3A_189 = arith.constant 0 : i32
        %dma_start3A_190 = arith.constant 2 : i32
        %dma_start3A_191 = arith.constant 0 : i32
        %dma_start3A_192 = arith.constant 0 : i32
        %dma_start3A_193 = tpu.memref_slice %arg7[%dma_start3A_190, %dma_start3A_191, %dma_start3A_192] : memref<3x80x128xf32, #tpu.memory_space<vmem>> -> memref<1x80x128xf32, #tpu.memory_space<vmem>>
        %dma_start3A_194 = tpu.memref_squeeze %dma_start3A_193 : memref<1x80x128xf32, #tpu.memory_space<vmem>> -> memref<80x128xf32, #tpu.memory_space<vmem>>
        %dma_start3A_195 = arith.constant 0 : i32
        %dma_start3A_196 = tpu.memref_slice %arg6[%dma_start3A_188, %dma_start3A_189, %dma_start3A_195] : memref<3x2x80xi32, #tpu.memory_space<vmem>> -> memref<1x1x80xi32, #tpu.memory_space<vmem>>
        %dma_start3A_197 = tpu.memref_squeeze %dma_start3A_196 : memref<1x1x80xi32, #tpu.memory_space<vmem>> -> memref<80xi32, #tpu.memory_space<vmem>>
        %dma_start3A_198 = arith.constant 0 : i32
        %dma_start3A_199 = arith.constant 0 : i32
        %dma_start3A_200 = tpu.memref_slice %arg2[%dma_start3A_198, %dma_start3A_199] : memref<10000x128xf32, #tpu.memory_space<hbm>> -> memref<10000x128xf32, #tpu.memory_space<hbm>>
        tpu.enqueue_indirect_dma source(%dma_start3A_200 : memref<10000x128xf32, #tpu.memory_space<hbm>>) target(%dma_start3A_194 : memref<80x128xf32, #tpu.memory_space<vmem>>) offsets(%dma_start3A_197 : memref<80xi32, #tpu.memory_space<vmem>>) semaphore(%arg11 : memref<!tpu.dma_semaphore, #tpu.memory_space<semaphore_mem>>)
      } else {
      }
      %dma_wait3A_115 = arith.constant 1 : i32
      %dma_wait3A_116 = arith.constant 0 : i32
      %dma_wait3A_117 = arith.constant 1 : i32
      %dma_wait3A_118 = arith.constant 0 : i32
      %dma_wait3A_119 = arith.constant 0 : i32
      %dma_wait3A_120 = tpu.memref_slice %arg7[%dma_wait3A_117, %dma_wait3A_118, %dma_wait3A_119] : memref<3x80x128xf32, #tpu.memory_space<vmem>> -> memref<1x80x128xf32, #tpu.memory_space<vmem>>
      %dma_wait3A_121 = tpu.memref_squeeze %dma_wait3A_120 : memref<1x80x128xf32, #tpu.memory_space<vmem>> -> memref<80x128xf32, #tpu.memory_space<vmem>>
      %dma_wait3A_122 = arith.constant 0 : i32
      %dma_wait3A_123 = tpu.memref_slice %arg6[%dma_wait3A_115, %dma_wait3A_116, %dma_wait3A_122] : memref<3x2x80xi32, #tpu.memory_space<vmem>> -> memref<1x1x80xi32, #tpu.memory_space<vmem>>
      %dma_wait3A_124 = tpu.memref_squeeze %dma_wait3A_123 : memref<1x1x80xi32, #tpu.memory_space<vmem>> -> memref<80xi32, #tpu.memory_space<vmem>>
      %dma_wait3A_125 = arith.constant 0 : i32
      %dma_wait3A_126 = arith.constant 0 : i32
      %dma_wait3A_127 = tpu.memref_slice %arg2[%dma_wait3A_125, %dma_wait3A_126] : memref<10000x128xf32, #tpu.memory_space<hbm>> -> memref<10000x128xf32, #tpu.memory_space<hbm>>
      tpu.wait_indirect_dma semaphore(%arg10 : memref<!tpu.dma_semaphore, #tpu.memory_space<semaphore_mem>>) src(%dma_wait3A_127 : memref<10000x128xf32, #tpu.memory_space<hbm>>) dst(%dma_wait3A_121 : memref<80x128xf32, #tpu.memory_space<vmem>>)
      %dma_start3A_128 = arith.constant 1 : i32
      %dma_start3A_129 = arith.constant 1 : i32
      %dma_start3A_130 = arith.constant 1 : i32
      %dma_start3A_131 = arith.constant 0 : i32
      %dma_start3A_132 = arith.constant 0 : i32
      %dma_start3A_133 = tpu.memref_slice %arg7[%dma_start3A_128, %dma_start3A_131, %dma_start3A_132] : memref<3x80x128xf32, #tpu.memory_space<vmem>> -> memref<1x80x128xf32, #tpu.memory_space<vmem>>
      %dma_start3A_134 = tpu.memref_squeeze %dma_start3A_133 : memref<1x80x128xf32, #tpu.memory_space<vmem>> -> memref<80x128xf32, #tpu.memory_space<vmem>>
      %dma_start3A_135 = arith.constant 0 : i32
      %dma_start3A_136 = tpu.memref_slice %arg6[%dma_start3A_129, %dma_start3A_130, %dma_start3A_135] : memref<3x2x80xi32, #tpu.memory_space<vmem>> -> memref<1x1x80xi32, #tpu.memory_space<vmem>>
      %dma_start3A_137 = tpu.memref_squeeze %dma_start3A_136 : memref<1x1x80xi32, #tpu.memory_space<vmem>> -> memref<80xi32, #tpu.memory_space<vmem>>
      %dma_start3A_138 = arith.constant 0 : i32
      %dma_start3A_139 = arith.constant 0 : i32
      %dma_start3A_140 = tpu.memref_slice %arg8[%dma_start3A_138, %dma_start3A_139] : memref<10240x128xf32, #tpu.memory_space<vmem_shared>> -> memref<10240x128xf32, #tpu.memory_space<vmem_shared>>
      tpu.enqueue_indirect_dma source(%dma_start3A_134 : memref<80x128xf32, #tpu.memory_space<vmem>>) target(%dma_start3A_140 : memref<10240x128xf32, #tpu.memory_space<vmem_shared>>) offsets(%dma_start3A_137 : memref<80xi32, #tpu.memory_space<vmem>>) semaphore(%arg13 : memref<!tpu.dma_semaphore, #tpu.memory_space<semaphore_mem>>) {add = true}
      %add3A_141 = arith.constant 2 : i32
      %add3A_142 = arith.addi %add3A_64, %add3A_141 : i32
      %ge3A_143 = arith.constant 2 : i32
      %ge3A_144 = arith.cmpi sge, %add3A_142, %ge3A_143 : i32
      %convert_element_type3A_145 = arith.extui %ge3A_144 : i1 to i32
      %cond3A_146 = arith.constant 0 : i32
      %cond3A_147 = arith.cmpi ne, %convert_element_type3A_145, %cond3A_146 : i32
      scf.if %cond3A_147 {
        %dma_wait3A_181 = arith.constant 0 : i32
        %dma_wait3A_182 = arith.constant 0 : i32
        %dma_wait3A_183 = arith.constant 1 : i32
        %dma_wait3A_184 = arith.constant 0 : i32
        %dma_wait3A_185 = arith.constant 0 : i32
        %dma_wait3A_186 = tpu.memref_slice %arg7[%dma_wait3A_181, %dma_wait3A_184, %dma_wait3A_185] : memref<3x80x128xf32, #tpu.memory_space<vmem>> -> memref<1x80x128xf32, #tpu.memory_space<vmem>>
        %dma_wait3A_187 = tpu.memref_squeeze %dma_wait3A_186 : memref<1x80x128xf32, #tpu.memory_space<vmem>> -> memref<80x128xf32, #tpu.memory_space<vmem>>
        %dma_wait3A_188 = arith.constant 0 : i32
        %dma_wait3A_189 = tpu.memref_slice %arg6[%dma_wait3A_182, %dma_wait3A_183, %dma_wait3A_188] : memref<3x2x80xi32, #tpu.memory_space<vmem>> -> memref<1x1x80xi32, #tpu.memory_space<vmem>>
        %dma_wait3A_190 = tpu.memref_squeeze %dma_wait3A_189 : memref<1x1x80xi32, #tpu.memory_space<vmem>> -> memref<80xi32, #tpu.memory_space<vmem>>
        %dma_wait3A_191 = arith.constant 0 : i32
        %dma_wait3A_192 = arith.constant 0 : i32
        %dma_wait3A_193 = tpu.memref_slice %arg8[%dma_wait3A_191, %dma_wait3A_192] : memref<10240x128xf32, #tpu.memory_space<vmem_shared>> -> memref<10240x128xf32, #tpu.memory_space<vmem_shared>>
        tpu.wait_indirect_dma semaphore(%arg12 : memref<!tpu.dma_semaphore, #tpu.memory_space<semaphore_mem>>) src(%dma_wait3A_187 : memref<80x128xf32, #tpu.memory_space<vmem>>) dst(%dma_wait3A_193 : memref<10240x128xf32, #tpu.memory_space<vmem_shared>>)
      } else {
      }
      %add3A_148 = arith.constant 1 : i32
      %add3A_149 = arith.addi %add3A_142, %add3A_148 : i32
      %lt3A_150 = arith.constant 126 : i32
      %lt3A_151 = arith.cmpi slt, %add3A_149, %lt3A_150 : i32
      %convert_element_type3A_152 = arith.extui %lt3A_151 : i1 to i32
      %cond3A_153 = arith.constant 0 : i32
      %cond3A_154 = arith.cmpi ne, %convert_element_type3A_152, %cond3A_153 : i32
      scf.if %cond3A_154 {
        %add3A_181 = arith.constant 1 : i32
        %add3A_182 = arith.addi %add3A_142, %add3A_181 : i32
        %scan3A_183 = arith.constant 0 : i32
        %scan3A_184 = arith.constant 5 : i32
        %scan3A_185 = arith.addi %scan3A_183, %scan3A_184 : i32
        %scan3A_186 = arith.constant 1 : i32
        scf.for %scan3A_201 = %scan3A_183 to %scan3A_185 step %scan3A_186  : i32 {
          %mul3A_202 = arith.constant 16 : i32
          %mul3A_203 = arith.muli %scan3A_201, %mul3A_202 : i32
          %add3A_204 = arith.constant 0 : i32
          %add3A_205 = arith.addi %add3A_204, %mul3A_203 : i32
          %get3A = arith.index_cast %add3A_182 : i32 to index
          %get3A_206 = arith.index_cast %add3A_205 : i32 to index
          %get3A_207 = tpu.vector_load %arg5[%get3A, %get3A_206] {strides = array<i32>} : memref<126x80xi32, #tpu.memory_space<vmem>>, vector<1x16xi32>,
          %get3A_208 = vector.shape_cast %get3A_207 : vector<1x16xi32> to vector<16xi32>
          %shift_right_logical3A = arith.constant 15 : i32
          %shift_right_logical3A_209 = vector.broadcast %shift_right_logical3A : i32 to vector<16xi32>
          %shift_right_logical3A_210 = arith.shrui %get3A_208, %shift_right_logical3A_209 : vector<16xi32>
          %swap3A = arith.constant 0 : i32
          %swap3A_211 = arith.constant 0 : i32
          %swap3A_212 = arith.index_cast %swap3A : i32 to index
          %swap3A_213 = arith.index_cast %swap3A_211 : i32 to index
          %swap3A_214 = arith.index_cast %add3A_205 : i32 to index
          %swap3A_215 = tpu.vector_load %arg6[%swap3A_212, %swap3A_213, %swap3A_214] {strides = array<i32>} : memref<3x2x80xi32, #tpu.memory_space<vmem>>, vector<1x1x16xi32>,
          %swap3A_216 = vector.shape_cast %swap3A_215 : vector<1x1x16xi32> to vector<16xi32>
          %swap3A_217 = vector.shape_cast %shift_right_logical3A_210 : vector<16xi32> to vector<1x1x16xi32>
          tpu.vector_store %arg6[%swap3A_212, %swap3A_213, %swap3A_214], %swap3A_217 {strides = array<i32>} : memref<3x2x80xi32, #tpu.memory_space<vmem>>, vector<1x1x16xi32>,
          %and3A = arith.constant 32767 : i32
          %and3A_218 = vector.broadcast %and3A : i32 to vector<16xi32>
          %and3A_219 = arith.andi %get3A_208, %and3A_218 : vector<16xi32>
          %swap3A_220 = arith.constant 0 : i32
          %swap3A_221 = arith.constant 1 : i32
          %swap3A_222 = arith.index_cast %swap3A_220 : i32 to index
          %swap3A_223 = arith.index_cast %swap3A_221 : i32 to index
          %swap3A_224 = arith.index_cast %add3A_205 : i32 to index
          %swap3A_225 = tpu.vector_load %arg6[%swap3A_222, %swap3A_223, %swap3A_224] {strides = array<i32>} : memref<3x2x80xi32, #tpu.memory_space<vmem>>, vector<1x1x16xi32>,
          %swap3A_226 = vector.shape_cast %swap3A_225 : vector<1x1x16xi32> to vector<16xi32>
          %swap3A_227 = vector.shape_cast %and3A_219 : vector<16xi32> to vector<1x1x16xi32>
          tpu.vector_store %arg6[%swap3A_222, %swap3A_223, %swap3A_224], %swap3A_227 {strides = array<i32>} : memref<3x2x80xi32, #tpu.memory_space<vmem>>, vector<1x1x16xi32>,
        }
        %scan3A_187 = arith.constant 5 : i32
        %dma_start3A_188 = arith.constant 0 : i32
        %dma_start3A_189 = arith.constant 0 : i32
        %dma_start3A_190 = arith.constant 0 : i32
        %dma_start3A_191 = arith.constant 0 : i32
        %dma_start3A_192 = arith.constant 0 : i32
        %dma_start3A_193 = tpu.memref_slice %arg7[%dma_start3A_190, %dma_start3A_191, %dma_start3A_192] : memref<3x80x128xf32, #tpu.memory_space<vmem>> -> memref<1x80x128xf32, #tpu.memory_space<vmem>>
        %dma_start3A_194 = tpu.memref_squeeze %dma_start3A_193 : memref<1x80x128xf32, #tpu.memory_space<vmem>> -> memref<80x128xf32, #tpu.memory_space<vmem>>
        %dma_start3A_195 = arith.constant 0 : i32
        %dma_start3A_196 = tpu.memref_slice %arg6[%dma_start3A_188, %dma_start3A_189, %dma_start3A_195] : memref<3x2x80xi32, #tpu.memory_space<vmem>> -> memref<1x1x80xi32, #tpu.memory_space<vmem>>
        %dma_start3A_197 = tpu.memref_squeeze %dma_start3A_196 : memref<1x1x80xi32, #tpu.memory_space<vmem>> -> memref<80xi32, #tpu.memory_space<vmem>>
        %dma_start3A_198 = arith.constant 0 : i32
        %dma_start3A_199 = arith.constant 0 : i32
        %dma_start3A_200 = tpu.memref_slice %arg2[%dma_start3A_198, %dma_start3A_199] : memref<10000x128xf32, #tpu.memory_space<hbm>> -> memref<10000x128xf32, #tpu.memory_space<hbm>>
        tpu.enqueue_indirect_dma source(%dma_start3A_200 : memref<10000x128xf32, #tpu.memory_space<hbm>>) target(%dma_start3A_194 : memref<80x128xf32, #tpu.memory_space<vmem>>) offsets(%dma_start3A_197 : memref<80xi32, #tpu.memory_space<vmem>>) semaphore(%arg9 : memref<!tpu.dma_semaphore, #tpu.memory_space<semaphore_mem>>)
      } else {
      }
      %dma_wait3A_155 = arith.constant 2 : i32
      %dma_wait3A_156 = arith.constant 0 : i32
      %dma_wait3A_157 = arith.constant 2 : i32
      %dma_wait3A_158 = arith.constant 0 : i32
      %dma_wait3A_159 = arith.constant 0 : i32
      %dma_wait3A_160 = tpu.memref_slice %arg7[%dma_wait3A_157, %dma_wait3A_158, %dma_wait3A_159] : memref<3x80x128xf32, #tpu.memory_space<vmem>> -> memref<1x80x128xf32, #tpu.memory_space<vmem>>
      %dma_wait3A_161 = tpu.memref_squeeze %dma_wait3A_160 : memref<1x80x128xf32, #tpu.memory_space<vmem>> -> memref<80x128xf32, #tpu.memory_space<vmem>>
      %dma_wait3A_162 = arith.constant 0 : i32
      %dma_wait3A_163 = tpu.memref_slice %arg6[%dma_wait3A_155, %dma_wait3A_156, %dma_wait3A_162] : memref<3x2x80xi32, #tpu.memory_space<vmem>> -> memref<1x1x80xi32, #tpu.memory_space<vmem>>
      %dma_wait3A_164 = tpu.memref_squeeze %dma_wait3A_163 : memref<1x1x80xi32, #tpu.memory_space<vmem>> -> memref<80xi32, #tpu.memory_space<vmem>>
      %dma_wait3A_165 = arith.constant 0 : i32
      %dma_wait3A_166 = arith.constant 0 : i32
      %dma_wait3A_167 = tpu.memref_slice %arg2[%dma_wait3A_165, %dma_wait3A_166] : memref<10000x128xf32, #tpu.memory_space<hbm>> -> memref<10000x128xf32, #tpu.memory_space<hbm>>
      tpu.wait_indirect_dma semaphore(%arg11 : memref<!tpu.dma_semaphore, #tpu.memory_space<semaphore_mem>>) src(%dma_wait3A_167 : memref<10000x128xf32, #tpu.memory_space<hbm>>) dst(%dma_wait3A_161 : memref<80x128xf32, #tpu.memory_space<vmem>>)
      %dma_start3A_168 = arith.constant 2 : i32
      %dma_start3A_169 = arith.constant 2 : i32
      %dma_start3A_170 = arith.constant 1 : i32
      %dma_start3A_171 = arith.constant 0 : i32
      %dma_start3A_172 = arith.constant 0 : i32
      %dma_start3A_173 = tpu.memref_slice %arg7[%dma_start3A_168, %dma_start3A_171, %dma_start3A_172] : memref<3x80x128xf32, #tpu.memory_space<vmem>> -> memref<1x80x128xf32, #tpu.memory_space<vmem>>
      %dma_start3A_174 = tpu.memref_squeeze %dma_start3A_173 : memref<1x80x128xf32, #tpu.memory_space<vmem>> -> memref<80x128xf32, #tpu.memory_space<vmem>>
      %dma_start3A_175 = arith.constant 0 : i32
      %dma_start3A_176 = tpu.memref_slice %arg6[%dma_start3A_169, %dma_start3A_170, %dma_start3A_175] : memref<3x2x80xi32, #tpu.memory_space<vmem>> -> memref<1x1x80xi32, #tpu.memory_space<vmem>>
      %dma_start3A_177 = tpu.memref_squeeze %dma_start3A_176 : memref<1x1x80xi32, #tpu.memory_space<vmem>> -> memref<80xi32, #tpu.memory_space<vmem>>
      %dma_start3A_178 = arith.constant 0 : i32
      %dma_start3A_179 = arith.constant 0 : i32
      %dma_start3A_180 = tpu.memref_slice %arg8[%dma_start3A_178, %dma_start3A_179] : memref<10240x128xf32, #tpu.memory_space<vmem_shared>> -> memref<10240x128xf32, #tpu.memory_space<vmem_shared>>
      tpu.enqueue_indirect_dma source(%dma_start3A_174 : memref<80x128xf32, #tpu.memory_space<vmem>>) target(%dma_start3A_180 : memref<10240x128xf32, #tpu.memory_space<vmem_shared>>) offsets(%dma_start3A_177 : memref<80xi32, #tpu.memory_space<vmem>>) semaphore(%arg14 : memref<!tpu.dma_semaphore, #tpu.memory_space<semaphore_mem>>) {add = true}
    }
    %scan3A_33 = arith.constant 42 : i32
    %dma_wait3A = arith.constant 1 : i32
    %dma_wait3A_34 = arith.constant 1 : i32
    %dma_wait3A_35 = arith.constant 1 : i32
    %dma_wait3A_36 = arith.constant 0 : i32
    %dma_wait3A_37 = arith.constant 0 : i32
    %dma_wait3A_38 = tpu.memref_slice %arg7[%dma_wait3A, %dma_wait3A_36, %dma_wait3A_37] : memref<3x80x128xf32, #tpu.memory_space<vmem>> -> memref<1x80x128xf32, #tpu.memory_space<vmem>>
    %dma_wait3A_39 = tpu.memref_squeeze %dma_wait3A_38 : memref<1x80x128xf32, #tpu.memory_space<vmem>> -> memref<80x128xf32, #tpu.memory_space<vmem>>
    %dma_wait3A_40 = arith.constant 0 : i32
    %dma_wait3A_41 = tpu.memref_slice %arg6[%dma_wait3A_34, %dma_wait3A_35, %dma_wait3A_40] : memref<3x2x80xi32, #tpu.memory_space<vmem>> -> memref<1x1x80xi32, #tpu.memory_space<vmem>>
    %dma_wait3A_42 = tpu.memref_squeeze %dma_wait3A_41 : memref<1x1x80xi32, #tpu.memory_space<vmem>> -> memref<80xi32, #tpu.memory_space<vmem>>
    %dma_wait3A_43 = arith.constant 0 : i32
    %dma_wait3A_44 = arith.constant 0 : i32
    %dma_wait3A_45 = tpu.memref_slice %arg8[%dma_wait3A_43, %dma_wait3A_44] : memref<10240x128xf32, #tpu.memory_space<vmem_shared>> -> memref<10240x128xf32, #tpu.memory_space<vmem_shared>>
    tpu.wait_indirect_dma semaphore(%arg13 : memref<!tpu.dma_semaphore, #tpu.memory_space<semaphore_mem>>) src(%dma_wait3A_39 : memref<80x128xf32, #tpu.memory_space<vmem>>) dst(%dma_wait3A_45 : memref<10240x128xf32, #tpu.memory_space<vmem_shared>>)
    %dma_wait3A_46 = arith.constant 2 : i32
    %dma_wait3A_47 = arith.constant 2 : i32
    %dma_wait3A_48 = arith.constant 1 : i32
    %dma_wait3A_49 = arith.constant 0 : i32
    %dma_wait3A_50 = arith.constant 0 : i32
    %dma_wait3A_51 = tpu.memref_slice %arg7[%dma_wait3A_46, %dma_wait3A_49, %dma_wait3A_50] : memref<3x80x128xf32, #tpu.memory_space<vmem>> -> memref<1x80x128xf32, #tpu.memory_space<vmem>>
    %dma_wait3A_52 = tpu.memref_squeeze %dma_wait3A_51 : memref<1x80x128xf32, #tpu.memory_space<vmem>> -> memref<80x128xf32, #tpu.memory_space<vmem>>
    %dma_wait3A_53 = arith.constant 0 : i32
    %dma_wait3A_54 = tpu.memref_slice %arg6[%dma_wait3A_47, %dma_wait3A_48, %dma_wait3A_53] : memref<3x2x80xi32, #tpu.memory_space<vmem>> -> memref<1x1x80xi32, #tpu.memory_space<vmem>>
    %dma_wait3A_55 = tpu.memref_squeeze %dma_wait3A_54 : memref<1x1x80xi32, #tpu.memory_space<vmem>> -> memref<80xi32, #tpu.memory_space<vmem>>
    %dma_wait3A_56 = arith.constant 0 : i32
    %dma_wait3A_57 = arith.constant 0 : i32
    %dma_wait3A_58 = tpu.memref_slice %arg8[%dma_wait3A_56, %dma_wait3A_57] : memref<10240x128xf32, #tpu.memory_space<vmem_shared>> -> memref<10240x128xf32, #tpu.memory_space<vmem_shared>>
    tpu.wait_indirect_dma semaphore(%arg14 : memref<!tpu.dma_semaphore, #tpu.memory_space<semaphore_mem>>) src(%dma_wait3A_52 : memref<80x128xf32, #tpu.memory_space<vmem>>) dst(%dma_wait3A_58 : memref<10240x128xf32, #tpu.memory_space<vmem_shared>>)
    %barrier3A_59 = arith.constant 0 : index
    tpu.barrier barrier_id(%barrier3A_59)
    "tpu.region"() ({
      %run_scoped3A = tpu.sem_alloc : memref<!tpu.dma_semaphore, #tpu.memory_space<semaphore_mem>>
      %dma_start3A_60 = arith.constant 0 : i32
      %dma_start3A_61 = arith.constant 0 : i32
      %dma_start3A_62 = tpu.memref_slice %arg4[%arg0, %dma_start3A_60, %dma_start3A_61] : memref<2x10240x128xf32, #tpu.memory_space<hbm>> -> memref<1x10240x128xf32, #tpu.memory_space<hbm>>
      %dma_start3A_63 = tpu.memref_squeeze %dma_start3A_62 : memref<1x10240x128xf32, #tpu.memory_space<hbm>> -> memref<10240x128xf32, #tpu.memory_space<hbm>>
      %dma_start3A_64 = arith.constant 0 : i32
      %dma_start3A_65 = tpu.memref_slice %dma_start3A_63[%mul3A_6, %dma_start3A_64] : memref<10240x128xf32, #tpu.memory_space<hbm>> -> memref<640x128xf32, #tpu.memory_space<hbm>>
      %dma_start3A_66 = arith.constant 0 : i32
      %dma_start3A_67 = tpu.memref_slice %arg8[%mul3A_6, %dma_start3A_66] : memref<10240x128xf32, #tpu.memory_space<vmem_shared>> -> memref<640x128xf32, #tpu.memory_space<vmem_shared>>
      tpu.enqueue_dma source(%dma_start3A_67 : memref<640x128xf32, #tpu.memory_space<vmem_shared>>) target(%dma_start3A_65 : memref<640x128xf32, #tpu.memory_space<hbm>>) target_semaphore(%run_scoped3A : memref<!tpu.dma_semaphore, #tpu.memory_space<semaphore_mem>>)
      %dma_wait3A_68 = arith.constant 0 : i32
      %dma_wait3A_69 = arith.constant 0 : i32
      %dma_wait3A_70 = tpu.memref_slice %arg4[%arg0, %dma_wait3A_68, %dma_wait3A_69] : memref<2x10240x128xf32, #tpu.memory_space<hbm>> -> memref<1x10240x128xf32, #tpu.memory_space<hbm>>
      %dma_wait3A_71 = tpu.memref_squeeze %dma_wait3A_70 : memref<1x10240x128xf32, #tpu.memory_space<hbm>> -> memref<10240x128xf32, #tpu.memory_space<hbm>>
      %dma_wait3A_72 = arith.constant 0 : i32
      %dma_wait3A_73 = tpu.memref_slice %dma_wait3A_71[%mul3A_6, %dma_wait3A_72] : memref<10240x128xf32, #tpu.memory_space<hbm>> -> memref<640x128xf32, #tpu.memory_space<hbm>>
      %dma_wait3A_74 = arith.constant 0 : i32
      %dma_wait3A_75 = tpu.memref_slice %arg8[%mul3A_6, %dma_wait3A_74] : memref<10240x128xf32, #tpu.memory_space<vmem_shared>> -> memref<640x128xf32, #tpu.memory_space<vmem_shared>>
      tpu.wait_dma2 semaphore(%run_scoped3A : memref<!tpu.dma_semaphore, #tpu.memory_space<semaphore_mem>>) src(%dma_wait3A_75 : memref<640x128xf32, #tpu.memory_space<vmem_shared>>) dst(%dma_wait3A_73 : memref<640x128xf32, #tpu.memory_space<hbm>>)
      tpu.yield
    }) : () -> ()
    return
  }
}

module attributes {stable_mosaic.version = 14 : i64} {
  func.func @body(%arg0: memref<10000x128xf32, #tpu.memory_space<vmem>>, %arg1: memref<10000x128xf32, #tpu.memory_space<vmem>>) attributes {dimension_semantics = [], scalar_prefetch = 0 : i64, scratch_operands = 0 : i64, tpu.core_type = #tpu.core_type<tc>} {
    %get3A = arith.constant 0 : index
    %get3A_0 = arith.constant 0 : index
    %get3A_1 = vector.load %arg0[%get3A, %get3A_0] : memref<10000x128xf32, #tpu.memory_space<vmem>>, vector<10000x128xf32>
    %max3A = arith.constant 0.000000e+00 : f32
    %max3A_2 = vector.broadcast %max3A : f32 to vector<10000x128xf32>
    %max3A_3 = arith.maximumf %get3A_1, %max3A_2 : vector<10000x128xf32>
    %swap3A = arith.constant 0 : index
    %swap3A_4 = arith.constant 0 : index
    %swap3A_5 = vector.load %arg1[%swap3A, %swap3A_4] : memref<10000x128xf32, #tpu.memory_space<vmem>>, vector<10000x128xf32>
    tpu.vector_store %arg1[%swap3A, %swap3A_4], %max3A_3 {strides = array<i32>} : memref<10000x128xf32, #tpu.memory_space<vmem>>, vector<10000x128xf32>,
    return
  }
}

module attributes {stable_mosaic.version = 14 : i64} {
  func.func @body(%arg0: memref<10000x128xf32, #tpu.memory_space<vmem>>, %arg1: memref<2x10240x128xf32, #tpu.memory_space<vmem>>, %arg2: memref<128x256xf32, #tpu.memory_space<vmem>>, %arg3: memref<1x256xf32, #tpu.memory_space<vmem>>, %arg4: memref<1x256xf32, #tpu.memory_space<vmem>>, %arg5: memref<1x256xf32, #tpu.memory_space<vmem>>, %arg6: memref<256x128xf32, #tpu.memory_space<vmem>>, %arg7: memref<1x128xf32, #tpu.memory_space<vmem>>, %arg8: memref<1x1xf32, #tpu.memory_space<vmem>>, %arg9: memref<10000x128xf32, #tpu.memory_space<vmem>>) attributes {dimension_semantics = [], scalar_prefetch = 0 : i64, scratch_operands = 0 : i64, tpu.core_type = #tpu.core_type<tc>} {
    %get3A = arith.constant 0 : index
    %get3A_0 = arith.constant 0 : index
    %get3A_1 = vector.load %arg0[%get3A, %get3A_0] : memref<10000x128xf32, #tpu.memory_space<vmem>>, vector<10000x128xf32>
    %get3A_2 = arith.constant 0 : index
    %get3A_3 = arith.constant 0 : index
    %get3A_4 = vector.load %arg8[%get3A_2, %get3A_3] : memref<1x1xf32, #tpu.memory_space<vmem>>, vector<1x1xf32>
    %get3A_5 = vector.extract %get3A_4[0, 0] : f32 from vector<1x1xf32>
    %add3A = arith.constant 1.000000e+00 : f32
    %add3A_6 = arith.addf %add3A, %get3A_5 : f32
    %mul3A = vector.broadcast %add3A_6 : f32 to vector<10000x128xf32>
    %mul3A_7 = arith.mulf %get3A_1, %mul3A : vector<10000x128xf32>
    %get3A_8 = arith.constant 0 : index
    %get3A_9 = arith.constant 0 : index
    %get3A_10 = arith.constant 0 : index
    %get3A_11 = vector.load %arg1[%get3A_8, %get3A_9, %get3A_10] : memref<2x10240x128xf32, #tpu.memory_space<vmem>>, vector<1x10000x128xf32>
    %get3A_12 = vector.shape_cast %get3A_11 : vector<1x10000x128xf32> to vector<10000x128xf32>
    %add3A_13 = arith.addf %mul3A_7, %get3A_12 : vector<10000x128xf32>
    %get3A_14 = arith.constant 1 : index
    %get3A_15 = arith.constant 0 : index
    %get3A_16 = arith.constant 0 : index
    %get3A_17 = vector.load %arg1[%get3A_14, %get3A_15, %get3A_16] : memref<2x10240x128xf32, #tpu.memory_space<vmem>>, vector<1x10000x128xf32>
    %get3A_18 = vector.shape_cast %get3A_17 : vector<1x10000x128xf32> to vector<10000x128xf32>
    %add3A_19 = arith.addf %add3A_13, %get3A_18 : vector<10000x128xf32>
    %get3A_20 = arith.constant 0 : index
    %get3A_21 = arith.constant 0 : index
    %get3A_22 = vector.load %arg2[%get3A_20, %get3A_21] : memref<128x256xf32, #tpu.memory_space<vmem>>, vector<128x256xf32>
    %dot_general3A = arith.constant dense<0.000000e+00> : vector<10000x256xf32>
    %dot_general3A_23 = tpu.matmul %add3A_19, %get3A_22, %dot_general3A {dimension_numbers = #tpu.dot_dimension_numbers<[1], [0], [0], [1], [0, 0, 1, 1], [], []>, transpose_lhs_hint = false} : vector<10000x128xf32>, vector<128x256xf32>, vector<10000x256xf32> -> vector<10000x256xf32>
    %get3A_24 = arith.constant 0 : index
    %get3A_25 = arith.constant 0 : index
    %get3A_26 = vector.load %arg3[%get3A_24, %get3A_25] : memref<1x256xf32, #tpu.memory_space<vmem>>, vector<1x256xf32>
    %add3A_27 = vector.broadcast %get3A_26 : vector<1x256xf32> to vector<10000x256xf32>
    %add3A_28 = arith.addf %dot_general3A_23, %add3A_27 : vector<10000x256xf32>
    %reduce_sum3A = arith.constant dense<0.000000e+00> : vector<256xf32>
    %reduce_sum3A_29 = vector.multi_reduction <add>, %add3A_28, %reduce_sum3A [0] : vector<10000x256xf32> to vector<256xf32>
    %broadcast_in_dim3A = vector.shape_cast %reduce_sum3A_29 : vector<256xf32> to vector<1x256xf32>
    %div3A = arith.constant 1.000000e+04 : f32
    %div3A_30 = vector.broadcast %div3A : f32 to vector<1x256xf32>
    %div3A_31 = arith.divf %broadcast_in_dim3A, %div3A_30 : vector<1x256xf32>
    %sub3A = vector.broadcast %div3A_31 : vector<1x256xf32> to vector<10000x256xf32>
    %sub3A_32 = arith.subf %add3A_28, %sub3A : vector<10000x256xf32>
    %integer_pow3A = arith.mulf %sub3A_32, %sub3A_32 : vector<10000x256xf32>
    %reduce_sum3A_33 = arith.constant dense<0.000000e+00> : vector<256xf32>
    %reduce_sum3A_34 = vector.multi_reduction <add>, %integer_pow3A, %reduce_sum3A_33 [0] : vector<10000x256xf32> to vector<256xf32>
    %broadcast_in_dim3A_35 = vector.shape_cast %reduce_sum3A_34 : vector<256xf32> to vector<1x256xf32>
    %div3A_36 = arith.constant 1.000000e+04 : f32
    %div3A_37 = vector.broadcast %div3A_36 : f32 to vector<1x256xf32>
    %div3A_38 = arith.divf %broadcast_in_dim3A_35, %div3A_37 : vector<1x256xf32>
    %sub3A_39 = vector.broadcast %div3A_31 : vector<1x256xf32> to vector<10000x256xf32>
    %sub3A_40 = arith.subf %add3A_28, %sub3A_39 : vector<10000x256xf32>
    %add3A_41 = arith.constant 9.99999974E-6 : f32
    %add3A_42 = vector.broadcast %add3A_41 : f32 to vector<1x256xf32>
    %add3A_43 = arith.addf %div3A_38, %add3A_42 : vector<1x256xf32>
    %sqrt3A = math.sqrt %add3A_43 : vector<1x256xf32>
    %div3A_44 = vector.broadcast %sqrt3A : vector<1x256xf32> to vector<10000x256xf32>
    %div3A_45 = arith.divf %sub3A_40, %div3A_44 : vector<10000x256xf32>
    %get3A_46 = arith.constant 0 : index
    %get3A_47 = arith.constant 0 : index
    %get3A_48 = vector.load %arg4[%get3A_46, %get3A_47] : memref<1x256xf32, #tpu.memory_space<vmem>>, vector<1x256xf32>
    %mul3A_49 = vector.broadcast %get3A_48 : vector<1x256xf32> to vector<10000x256xf32>
    %mul3A_50 = arith.mulf %div3A_45, %mul3A_49 : vector<10000x256xf32>
    %get3A_51 = arith.constant 0 : index
    %get3A_52 = arith.constant 0 : index
    %get3A_53 = vector.load %arg5[%get3A_51, %get3A_52] : memref<1x256xf32, #tpu.memory_space<vmem>>, vector<1x256xf32>
    %add3A_54 = vector.broadcast %get3A_53 : vector<1x256xf32> to vector<10000x256xf32>
    %add3A_55 = arith.addf %mul3A_50, %add3A_54 : vector<10000x256xf32>
    %max3A = arith.constant 0.000000e+00 : f32
    %max3A_56 = vector.broadcast %max3A : f32 to vector<10000x256xf32>
    %max3A_57 = arith.maximumf %add3A_55, %max3A_56 : vector<10000x256xf32>
    %get3A_58 = arith.constant 0 : index
    %get3A_59 = arith.constant 0 : index
    %get3A_60 = vector.load %arg6[%get3A_58, %get3A_59] : memref<256x128xf32, #tpu.memory_space<vmem>>, vector<256x128xf32>
    %dot_general3A_61 = arith.constant dense<0.000000e+00> : vector<10000x128xf32>
    %dot_general3A_62 = tpu.matmul %max3A_57, %get3A_60, %dot_general3A_61 {dimension_numbers = #tpu.dot_dimension_numbers<[1], [0], [0], [1], [0, 0, 1, 1], [], []>, transpose_lhs_hint = false} : vector<10000x256xf32>, vector<256x128xf32>, vector<10000x128xf32> -> vector<10000x128xf32>
    %get3A_63 = arith.constant 0 : index
    %get3A_64 = arith.constant 0 : index
    %get3A_65 = vector.load %arg7[%get3A_63, %get3A_64] : memref<1x128xf32, #tpu.memory_space<vmem>>, vector<1x128xf32>
    %add3A_66 = vector.broadcast %get3A_65 : vector<1x128xf32> to vector<10000x128xf32>
    %add3A_67 = arith.addf %dot_general3A_62, %add3A_66 : vector<10000x128xf32>
    %swap3A = arith.constant 0 : index
    %swap3A_68 = arith.constant 0 : index
    %swap3A_69 = vector.load %arg9[%swap3A, %swap3A_68] : memref<10000x128xf32, #tpu.memory_space<vmem>>, vector<10000x128xf32>
    tpu.vector_store %arg9[%swap3A, %swap3A_68], %add3A_67 {strides = array<i32>} : memref<10000x128xf32, #tpu.memory_space<vmem>>, vector<10000x128xf32>,
    return
  }
}

</mosaic_0001>

<sc_bundles>
// kernel: kernel.5.cloned.1.call-start
scs
__scs_entry_jumppad:
0x0: {  	(pc) =	sbr.rel $0x88, $3  }
0x1: {  	(tag) =	ssettag $0x0;
	lr =	simm.s32 $0x1  }
0x2: {  	[smem:$0x3F98] =	sst lr;
	_ =	strace $0xD0000000  }
0x3: {  	_ = 	snop  }
0x4: {  	_ = 	snop  }
0x5: {  	_ = 	snop  }
0x6: {  	_ = 	snop  }
0x7: {  	_ = 	snop  }
__scs_overlays_trampoline_lowered:
0x8: {  	[smem:$0x3FA7] =	sst s0  }
0x9: {  	[smem:$0x3FA8] =	sst s1  }
0xa: {  	[smem:$0x3FA9] =	sst s2  }
0xb: {  	[smem:$0x3FAA] =	sst s3  }
0xc: {  	[smem:$0x3FAB] =	sst s4  }
0xd: {  	[smem:$0x3FAC] =	sst s5  }
0xe: {  	[smem:$0x3FAD] =	sst s6  }
0xf: {  	[smem:$0x3FAE] =	sst s7  }
0x10: {  	[smem:$0x3FAF] =	sst s8  }
0x11: {  	[smem:$0x3FB0] =	sst s9;
	s0 =	simm.s32 @!p0 $0x0  }
0x12: {  	s1 =	sld [smem:$0x3F96];
	s0 =	simm.s32 @p0 $0x1  }
0x13: {  	[smem:$0x3FB1] =	sst s0;
	s0 =	simm.s32 @!p1 $0x0  }
0x14: {  	s2 =	sld [smem:$0x3F95];
	s0 =	simm.s32 @p1 $0x1  }
0x15: {  	[smem:$0x3FB2] =	sst s0;
	s0 =	simm.s32 @!p2 $0x0  }
0x16: {  	s3 =	sld [smem:$0x3FDB];
	s0 =	simm.s32 @p2 $0x1  }
0x17: {  	s4 =	simm.s32 $0x1BF5;
	[smem:$0x3FB4] =	sst s0  }
0x18: {  	s0 =	sld [smem:$0x3F97];
	_ =	swait.ge [sflag:s4], $0x0  }
0x19: {  	s7 =	sld [smem:$0x3F98]  }
0x1a: {  	s8 =	sadd.s32 $0xFFFFE003, lr  }
0x1b: {  	s9 =	sadd.s32 $0xFFFFFEF7, lr;
	s5 =	simm.s32 $0xFFFFFFFF;
	p2 =	slt.u32 s8, $0xFFFFF086  }
0x1c: {  	p1 =	slt.u32 s9, $0xF7A;
	s5 =	simm.s32 @!p2 $0x0  }
0x1d: {  	s5 =	simm.s32 @p1 $0x1;
	p0 =	seq.s32 s7, s2  }
0x1e: {  	s7 =	smul.u32 @!p0 $0xF7A, s2;
	p2 =	seq.s32 @!p0 s5, $0x0  }
0x1f: {  	s9 =	smul.u32 $0xF7A, s1;
	s8 =	simm.s32 @!p0 $0x1BF5;
	p2 =	por !p2, p0  }
0x20: {  	[sflag:s8] =	ssyncset.s32 @!p0 $0xFFFFF086;
	s6 =	sadd.s32 @!p0 s3, s7;
	s7 =	simm.s32 @!p0 $0x108  }
0x21: {  	s3 =	sadd.s32 s3, s9;
	s6 =	sadd.s32 @!p0 $0x88, s6;
	s7 =	simm.s32 @p2 $0x1082  }
0x22: {  	[simem:s7], [sflag:s8] =	dma.local @!p0 [hbm:s6], $0xF7A  }
0x23: {  	s9 =	sor.u32 $0xD0000000, s2;
	s6 =	simm.s32 $0x108;
	_ =	swait.ge @!p0 [sflag:s8], $0x0  }
0x24: {  	s3 =	sadd.s32 $0x88, s3;
	s6 =	simm.s32 @!p1 $0x1082;
	[sflag:s4] =	ssyncset.s32 $0xFFFFF086  }
0x25: {  	[simem:s6], [sflag:s4] =	dma.local [hbm:s3], $0xF7A  }
0x26: {  	[smem:$0x3F98] =	sst s1;
	(tag) =	ssettag s2;
	_ =	strace s9  }
0x27: {  	s1 =	sld [smem:$0x3FA8]  }
0x28: {  	s2 =	sld [smem:$0x3FA9]  }
0x29: {  	s4 =	sld [smem:$0x3FAB]  }
0x2a: {  	p0 =	seq.s32 s5, $0x0;
	s5 =	sld [smem:$0x3FAC]  }
0x2b: {  	s6 =	sld [smem:$0x3FAD]  }
0x2c: {  	s7 =	sld [smem:$0x3FAE]  }
0x2d: {  	s3 =	simm.s32 $0x108;
	s8 =	sld [smem:$0x3FAF]  }
0x2e: {  	s3 =	simm.s32 @!p0 $0x1082;
	s9 =	sld [smem:$0x3FB0]  }
0x2f: {  	lr =	sadd.s32 s0, s3;
	s0 =	sld [smem:$0x3FA7]  }
0x30: {  	s3 =	sld [smem:$0x3FAA]  }
0x31: {  	[smem:$0x3FB3] =	sst s10  }
0x32: {  	s10 =	sld [smem:$0x3FB1];
	_ =	sdelay $0x3  }
0x33: {  	p0 =	seq.s32 s10, $0x1;
	s10 =	sld [smem:$0x3FB3];
	_ =	sdelay $0x3  }
0x34: {  	[smem:$0x3FB3] =	sst s10  }
0x35: {  	s10 =	sld [smem:$0x3FB2];
	_ =	sdelay $0x3  }
0x36: {  	p1 =	seq.s32 s10, $0x1;
	s10 =	sld [smem:$0x3FB3];
	_ =	sdelay $0x3  }
0x37: {  	[smem:$0x3FB3] =	sst s10  }
0x38: {  	s10 =	sld [smem:$0x3FB4]  }
0x39: {  	_ = 	snop;
	(pc) =	sbr.ind lr, $3  }
0x3a: {  	_ = 	snop  }
0x3b: {  	_ = 	snop  }
0x3c: {  	p2 =	seq.s32 s10, $0x1;
	s10 =	sld [smem:$0x3FB3]  }
0x3d: {  	_ =	shalt  }
0x3e: {  	_ =	shalt  }
0x3f: {  	_ =	shalt  }
0x40: {  	_ =	shalt  }
0x41: {  	_ =	shalt  }
0x42: {  	_ =	shalt  }
0x43: {  	_ =	shalt  }
0x44: {  	_ =	shalt  }
0x45: {  	_ =	shalt  }
0x46: {  	_ =	shalt  }
0x47: {  	_ =	shalt  }
0x48: {  	_ =	shalt  }
0x49: {  	_ =	shalt  }
0x4a: {  	_ =	shalt  }
0x4b: {  	_ =	shalt  }
0x4c: {  	_ =	shalt  }
0x4d: {  	_ =	shalt  }
0x4e: {  	_ =	shalt  }
0x4f: {  	_ =	shalt  }
0x50: {  	_ =	shalt  }
0x51: {  	_ =	shalt  }
0x52: {  	_ =	shalt  }
0x53: {  	_ =	shalt  }
0x54: {  	_ =	shalt  }
0x55: {  	_ =	shalt  }
0x56: {  	_ =	shalt  }
0x57: {  	_ =	shalt  }
0x58: {  	_ =	shalt  }
0x59: {  	_ =	shalt  }
0x5a: {  	_ =	shalt  }
0x5b: {  	_ =	shalt  }
0x5c: {  	_ =	shalt  }
0x5d: {  	_ =	shalt  }
0x5e: {  	_ =	shalt  }
0x5f: {  	_ =	shalt  }
0x60: {  	_ =	shalt  }
0x61: {  	_ =	shalt  }
0x62: {  	_ =	shalt  }
0x63: {  	_ =	shalt  }
0x64: {  	_ =	shalt  }
0x65: {  	_ =	shalt  }
0x66: {  	_ =	shalt  }
0x67: {  	_ =	shalt  }
0x68: {  	_ =	shalt  }
0x69: {  	_ =	shalt  }
0x6a: {  	_ =	shalt  }
0x6b: {  	_ =	shalt  }
0x6c: {  	_ =	shalt  }
0x6d: {  	_ =	shalt  }
0x6e: {  	_ =	shalt  }
0x6f: {  	_ =	shalt  }
0x70: {  	_ =	shalt  }
0x71: {  	_ =	shalt  }
0x72: {  	_ =	shalt  }
0x73: {  	_ =	shalt  }
0x74: {  	_ =	shalt  }
0x75: {  	_ =	shalt  }
0x76: {  	_ =	shalt  }
0x77: {  	_ =	shalt  }
0x78: {  	_ =	shalt  }
0x79: {  	_ =	shalt  }
0x7a: {  	_ =	shalt  }
0x7b: {  	_ =	shalt  }
0x7c: {  	_ =	shalt  }
0x7d: {  	_ =	shalt  }
0x7e: {  	_ =	shalt  }
0x7f: {  	_ =	shalt  }
0x80: {  	_ =	shalt  }
0x81: {  	_ =	shalt  }
0x82: {  	_ =	shalt  }
0x83: {  	_ =	shalt  }
0x84: {  	_ =	shalt  }
0x85: {  	_ =	shalt  }
0x86: {  	_ =	shalt  }
0x87: {  	_ =	shalt  }
.Lfunc_end0:
.L_simem_size_0:
called_computation_lowered:
.L_overlay_start_0:
0x88: {  	s2 =	sld [smem:$0x3FD9]  }
0x89: {  	s3 =	sld [smem:$0x3FFE];
	_ =	sdelay $0x1  }
0x8a: {  	s1 =	srdreg.scid  }
0x8b: {  	s0 =	sand.u32 $0x1, s1  }
0x8c: {  	s17 =	sshll.u32 s0, $0xA;
	s2 =	sadd.s32 s3, s2  }
0x8d: {  	s2 =	sadd.s32 s2, s17  }
0x8e: {  	[smem:$0x3FBF] =	sst s2  }
0x8f: {  	_ = 	snop  }
0x90: {  	s2 =	sld [smem:$0x3FD0];
	(tm) =	ssettm $0x1  }
0x91: {  	s18 =	sld [smem:$0x3FFB];
	_ =	sdelay $0x3  }
0x92: {  	_ =	strace s18  }
0x93: {  	s3 =	sld [smem:$0x3FFC];
	_ =	sdelay $0x3  }
0x94: {  	_ =	strace s3  }
0x95: {  	s3 =	sld [smem:$0x3FFD];
	_ =	sdelay $0x3  }
0x96: {  	_ =	strace s3  }
0x97: {  	_ =	strace $0x8FFFFFFF  }
0x98: {  	s19 =	sld [smem:$0x3FDB];
	_ =	sdelay $0x1  }
0x99: {  	s4 =	simm.s32 $_scs_section_size  }
0x9a: {  	s5 =	simm.s32 $_size__tile_overlayer_lowered;
	s6 =	simm.s32 $_tile_overlayer_lowered  }
0x9b: {  	s22 =	simm.s32 $0x1BFF;
	s21 =	sshll.u32 s6, $0x1;
	s3 =	sadd.s32 s4, s19  }
0x9c: {  	s7 =	simm.s32 $0x0;
	s20 =	sshll.u32 s5, $0x1;
	s5 =	sadd.s32 s21, s3  }
0x9d: {  	[timem:s7], [sflag:s22] =	dma.local [hbm:s5], s20  }
0x9e: {  	_ =	swait.ge [sflag:s22], s20  }
0x9f: {  	s4 =	ssub.s32 $0x0, s20;
	[sflag:s22] =	ssyncset.done $0x0  }
0xa0: {  	[sflag:s22] =	ssyncadd.s32 s4;
	_ =	sdelay $0x1  }
0xa1: {  	s23 =	simm.s32 $0x1B8B  }
0xa2: {  	_ =	swait.ge [sflag:s23], $0x1  }
0xa3: {  	[sflag:s23] =	ssyncset.done $0x0  }
0xa4: {  	s25 =	simm.s32 $0x1B8E;
	s24 =	sld [smem:$0x3FFE];
	[sflag:s23] =	ssyncadd.s32 $0xFFFFFFFF  }
0xa5: {  	s26 =	simm.s32 $execute0_lowered;
	[smem:$0x3FD2] =	sst s25  }
0xa6: {  	s5 =	sshll.u32 s26, $0x1;
	_ =	strace $0x80000046;
	[dreg:$0x1] =	wrdreg $0xFFFFFFFF  }
0xa7: {  	s28 =	simm.s32 $_size_execute0_lowered;
	s3 =	sadd.s32 s3, s5;
	[dreg:$0x0] =	wrdreg $0x0  }
0xa8: {  	s5 =	sshll.u32 s28, $0x1;
	[dreg:$0x2] =	wrdreg s3  }
0xa9: {  	[dreg:$0x3] =	wrdreg s5  }
0xaa: {  	[dreg:$0x4] =	wrdreg $0xC0  }
0xab: {  	_ =	task [dreg:s7], $0x5FFFF  }
0xac: {  	[dreg:$0x1] =	wrdreg $0xFFFFFFFF  }
0xad: {  	[dreg:$0x0] =	wrdreg $0x60  }
0xae: {  	[dreg:$0x2] =	wrdreg s2  }
0xaf: {  	[dreg:$0x3] =	wrdreg s24  }
0xb0: {  	[dreg:$0x4] =	wrdreg $0xBB000  }
0xb1: {  	[dreg:$0x5] =	wrdreg $0x9  }
0xb2: {  	_ =	task.clear_ibuf [dreg:s7], $0x6FFFF;
	_ =	strace $0x90000046  }
0xb3: {  	s29 =	simm.s32 $0x9;
	_ =	strace $0x80000048  }
0xb4: {  	_ =	swait.ge [sflag:s29], $0x1  }
0xb5: {  	[sflag:s29] =	ssyncadd.s32 $0xFFFFFFFF  }
0xb6: {  	_ =	strace $0x90000048  }
0xb7: {  	_ =	sfence  }
0xb8: {  	s30 =	sld [smem:$0x0];
	_ =	sdelay $0x2  }
0xb9: {  	s31 =	sshll.u32 s1, $0xD;
	s1 =	sshrl.u32 s1, $0x2  }
0xba: {  	s3 =	sand.u32 $0x4000, s31;
	s1 =	sadd.s32 s1, s30  }
0xbb: {  	s0 =	sor.u32 s3, s0;
	s1 =	sshll.u32 s1, $0x11  }
0xbc: {  	s0 =	sor.u32 s1, s0  }
0xbd: {  	s0 =	sadd.s32 $0x8F2B, s0  }
0xbe: {  	[sflag:s0] =	ssyncadd.remote.s32 $0x1  }
0xbf: {  	_ =	sfence.sel $0xFFFF  }
0xc0: {  	[dreg:$0x0] =	wrdreg $0xFFFFFFFF;
	(pc) =	sbr.abs _section_cstart, $3  }
0xc1: {  	[dreg:$0x1] =	wrdreg $0xFFFFFFFF  }
0xc2: {  	_ =	task.clear_ibuf [dreg:s7], $0x2FFFF;
	_ =	strace $0x9FFFFFFF  }
0xc3: {  	(tm) =	ssettm $0x7FFFFFFF  }
tec
execute0_lowered:
.L_overlay_start_1:
0x0: {  	(tag) =	ssettag $0x1  }
0x1: {  	s1 =	rddreg [dreg:$0x0]  }
0x2: {  	s0 =	rddreg [dreg:$0x1]  }
0x3: {  	s2 =	rddreg [dreg:$0x2];
	s4 =	simm.s32 $0x0;
	s3 =	srdreg.scid  }
0x4: {  	s9 =	stileid.u32;
	s15 =	simm.s32 $0x4300;
	s19 =	simm.s32 $0x4100  }
0x5: {  	s20 =	simm.s32 $0x6B00;
	s21 =	simm.s32 $0x1;
	s22 =	simm.s32 $0x4080  }
0x6: {  	s23 =	simm.s32 $0x4200;
	s28 =	simm.s32 $0x4180;
	s29 =	simm.s32 $0x4  }
0x7: {  	s30 =	simm.s32 $0x3;
	s31 =	simm.s32 $0x4280;
	s8 =	smul.u32 $0x50000, s9  }
0x8: {  	[smem:$0x7FF] =	sst s4;
	s3 =	sand.u32 $0x1, s3;
	s18 =	smul.u32 $0x2800, s9  }
0x9: {  	s5 =	sshll.u32 s9, $0xB;
	_ =	strace $0x80000047;
	s6 =	smul.u32 $0x28000, s3  }
0xa: {  	s5 =	sadd.s32 s5, s0;
	s7 =	ssub.s32 $0x2, s3;
	s3 =	sshll.u32 s3, $0xF  }
0xb: {  	s16 =	sshrl.u32 s7, $0x1;
	s3 =	sadd.s32 s3, s5;
	s17 =	sshrl.u32 s8, $0x2  }
0xc: {  	s0 =	sadd.s32 s6, s0;
	s7 =	ssub.s32 s7, s16;
	s3 =	sadd.s32 $0x1600, s3  }
0xd: {  	s6 =	sadd.s32 s17, s2;
	s16 =	simm.s32 $0x7;
	s17 =	simm.s32 $0x50  }
0xe: {  	[dreg:$0x4] =	wrdreg s3;
	s0 =	sadd.s32 $0x11600, s0;
	s24 =	smax.u32 s7, $0x1  }
0xf: {  	s25 =	sadd.s32 $0x2800, s6;
	s26 =	sadd.s32 $0x5000, s6;
	s10 =	sadd.s32 $0x7800, s6  }
0x10: {  	s11 =	sadd.s32 $0xA000, s6;
	s12 =	sadd.s32 $0xC800, s6;
	[dreg:$0x5] =	wrdreg s24  }
0x11: {  	s13 =	sadd.s32 $0xF000, s6;
	s14 =	sadd.s32 $0x11800, s6;
	[dreg:$0x6] =	wrdreg s25  }
0x12: {  	[dreg:$0x7] =	wrdreg s26;
	s24 =	sadd.s32 s18, s0;
	s25 =	simm.s32 $0x9300  }
0x13: {  	v0 =	vimm.f32 $0.0e+00;
	s26 =	simm.s32 $0x2;
	s0 =	simm.s32 $0x5;
	s18 =	simm.s32 $0x6  }
.LBB2_1:
0x14: {  	s3 =	simm.s32 $0x70;
	s5 =	simm.s32 $0x3C0  }
.LBB2_2:
0x15: {  	p0 =	sne.s32 s5, $0x9FC0;
	[tilespmem:s3+$0x4300] =	vst v0  }
0x16: {  	[tilespmem:s3+$0x4290] =	vst v0  }
0x17: {  	[tilespmem:s3+$0x42A0] =	vst v0  }
.Ltmp0:
0x18: {  	[tilespmem:s3+$0x42B0] =	vst v0;
	(pc) =	sbr.rel @p0 .LBB2_2-.Ltmp0, $4  }
0x19: {  	[tilespmem:s3+$0x42C0] =	vst v0  }
0x1a: {  	[tilespmem:s3+$0x42D0] =	vst v0  }
0x1b: {  	[tilespmem:s3+$0x42E0] =	vst v0  }
0x1c: {  	[tilespmem:s3+$0x42F0] =	vst v0;
	s3 =	sshra.s32 s5, $0x2;
	s5 =	sadd.s32 $0x200, s5  }
0x1d: {  	[tilespmem:s3+$0x4300] =	vst v0  }
0x1e: {  	[tilespmem:s3+$0x4290] =	vst v0  }
0x1f: {  	[tilespmem:s3+$0x42A0] =	vst v0  }
0x20: {  	[tilespmem:s3+$0x42B0] =	vst v0  }
0x21: {  	[tilespmem:s3+$0x42C0] =	vst v0  }
0x22: {  	[tilespmem:s3+$0x42D0] =	vst v0  }
0x23: {  	[tilespmem:s3+$0x42E0] =	vst v0  }
0x24: {  	[tilespmem:s3+$0x42F0] =	vst v0  }
0x25: {  	[spmem:s6] =	stream.linear.scatter [tilespmem:s15], [sflag:$0x7], $0x2800, $0x38;
	[tilespmem:$0x1FB00] =	vst v63  }
0x26: {  	_ =	swait.ge [sflag:s16], $0x2800  }
0x27: {  	[sflag:s16] =	ssyncset.done $0x0  }
0x28: {  	s9 =	rddreg [dreg:$0x6];
	[sflag:s16] =	ssyncadd.s32 $0xFFFFD800  }
0x29: {  	[spmem:s9] =	stream.linear.scatter [tilespmem:s15], [sflag:$0x7], $0x2800, $0x38;
	[tilespmem:$0x1FB00] =	vst v63  }
0x2a: {  	_ =	swait.ge [sflag:s16], $0x2800  }
0x2b: {  	[sflag:s16] =	ssyncset.done $0x0  }
0x2c: {  	s5 =	rddreg [dreg:$0x7];
	[sflag:s16] =	ssyncadd.s32 $0xFFFFD800  }
0x2d: {  	[spmem:s5] =	stream.linear.scatter [tilespmem:s15], [sflag:$0x7], $0x2800, $0x38;
	[tilespmem:$0x1FB00] =	vst v63  }
0x2e: {  	_ =	swait.ge [sflag:s16], $0x2800  }
0x2f: {  	[sflag:s16] =	ssyncset.done $0x0  }
0x30: {  	[sflag:s16] =	ssyncadd.s32 $0xFFFFD800  }
0x31: {  	[spmem:s10] =	stream.linear.scatter [tilespmem:s15], [sflag:$0x7], $0x2800, $0x38;
	[tilespmem:$0x1FB00] =	vst v63  }
0x32: {  	_ =	swait.ge [sflag:s16], $0x2800  }
0x33: {  	[sflag:s16] =	ssyncset.done $0x0  }
0x34: {  	[sflag:s16] =	ssyncadd.s32 $0xFFFFD800  }
0x35: {  	[spmem:s11] =	stream.linear.scatter [tilespmem:s15], [sflag:$0x7], $0x2800, $0x38;
	[tilespmem:$0x1FB00] =	vst v63  }
0x36: {  	_ =	swait.ge [sflag:s16], $0x2800  }
0x37: {  	[sflag:s16] =	ssyncset.done $0x0  }
0x38: {  	[sflag:s16] =	ssyncadd.s32 $0xFFFFD800  }
0x39: {  	[spmem:s12] =	stream.linear.scatter [tilespmem:s15], [sflag:$0x7], $0x2800, $0x38;
	[tilespmem:$0x1FB00] =	vst v63  }
0x3a: {  	_ =	swait.ge [sflag:s16], $0x2800  }
0x3b: {  	[sflag:s16] =	ssyncset.done $0x0  }
0x3c: {  	[sflag:s16] =	ssyncadd.s32 $0xFFFFD800  }
0x3d: {  	[spmem:s13] =	stream.linear.scatter [tilespmem:s15], [sflag:$0x7], $0x2800, $0x38;
	[tilespmem:$0x1FB00] =	vst v63  }
0x3e: {  	_ =	swait.ge [sflag:s16], $0x2800  }
0x3f: {  	[sflag:s16] =	ssyncset.done $0x0  }
0x40: {  	[sflag:s16] =	ssyncadd.s32 $0xFFFFD800  }
0x41: {  	[spmem:s14] =	stream.linear.scatter [tilespmem:s15], [sflag:$0x7], $0x2800, $0x38;
	[tilespmem:$0x1FB00] =	vst v63  }
0x42: {  	_ =	swait.ge [sflag:s16], $0x2800  }
0x43: {  	[sflag:s16] =	ssyncset.done $0x0  }
0x44: {  	s7 =	simm.s32 $0x0;
	s5 =	rddreg [dreg:$0x4];
	[sflag:s16] =	ssyncadd.s32 $0xFFFFD800  }
0x45: {  	[tilespmem:s7], [sflag:$0x7] =	stream.linear.gather [hbm4b:s5+s7], $0x3F00, $0x38;
	[tilespmem:$0x1FB00] =	vst v63  }
0x46: {  	_ =	swait.ge [sflag:s16], $0x3F00  }
0x47: {  	[sflag:s16] =	ssyncset.done $0x0  }
0x48: {  	[sflag:s16] =	ssyncadd.s32 $0xFFFFC100  }
0x49: {  	[bflag:$0x0] =	sbarrier.arrive $0xFFFF  }
0x4a: {  	v1 =	vld [tilespmem:$0x0];
	_ =	sdelay $0x1  }
0x4b: {  	v2 =	vld [tilespmem:$0x10];
	_ =	sdelay $0x1  }
0x4c: {  	v3 =	vld [tilespmem:$0x20]  }
0x4d: {  	v4 =	vshrl.u32 v1, $0xF  }
0x4e: {  	v63 =	vld [tilespmem:$0x30];
	v1 =	vand.u32 $0x7FFF, v1;
	[tilespmem:$0x4000] =	vst v4  }
0x4f: {  	[tilespmem:$0x4080] =	vst v1;
	v1 =	vshrl.u32 v2, $0xF  }
0x50: {  	[tilespmem:$0x4010] =	vst v1;
	v1 =	vand.u32 $0x7FFF, v2;
	v2 =	vld [tilespmem:$0x40]  }
0x51: {  	[tilespmem:$0x4090] =	vst v1;
	v1 =	vshrl.u32 v3, $0xF  }
0x52: {  	[tilespmem:$0x4020] =	vst v1;
	v1 =	vand.u32 $0x7FFF, v3  }
0x53: {  	[tilespmem:$0x40A0] =	vst v1;
	v1 =	vshrl.u32 v63, $0xF  }
0x54: {  	[tilespmem:$0x4030] =	vst v1;
	v1 =	vand.u32 $0x7FFF, v63  }
0x55: {  	[tilespmem:$0x40B0] =	vst v1;
	v1 =	vshrl.u32 v2, $0xF  }
0x56: {  	p0 =	por $0x1, $0x1;
	[tilespmem:$0x4040] =	vst v1;
	v1 =	vand.u32 $0x7FFF, v2  }
0x57: {  	s8 =	simm.s32 $0x4000;
	s3 =	simm.s32 @!p0 $0x5;
	[tilespmem:$0x40C0] =	vst v1  }
0x58: {  	[tilespmem:s15], [sflag:$0x1] =	stream.indirect.gather [hbm4b:s1+s17], $0x80, s8, s17, $0xb8;
	[tilespmem:$0x1FB00] =	vst v63  }
0x59: {  	_ =	swait.ge @!p0 [sflag:s3], $0x2800  }
0x5a: {  	[sflag:s3] =	ssyncset.done @!p0 $0x0  }
0x5b: {  	s9 =	simm.s32 $0x0;
	[sflag:s3] =	ssyncadd.s32 @!p0 $0xFFFFD800  }
0x5c: {  	v1 =	vld [tilespmem:s9+$0x80];
	_ =	sdelay $0x4  }
0x5d: {  	v2 =	vshrl.u32 v1, $0xF  }
0x5e: {  	v1 =	vand.u32 $0x7FFF, v1;
	[tilespmem:$0x4100] =	vst v2  }
0x5f: {  	[tilespmem:$0x4180] =	vst v1  }
0x60: {  	v1 =	vld [tilespmem:s9+$0x90];
	_ =	sdelay $0x4  }
0x61: {  	v2 =	vshrl.u32 v1, $0xF  }
0x62: {  	v1 =	vand.u32 $0x7FFF, v1;
	[tilespmem:$0x4110] =	vst v2  }
0x63: {  	[tilespmem:$0x4190] =	vst v1  }
0x64: {  	v1 =	vld [tilespmem:s9+$0xA0];
	_ =	sdelay $0x4  }
0x65: {  	v2 =	vshrl.u32 v1, $0xF  }
0x66: {  	v1 =	vand.u32 $0x7FFF, v1;
	[tilespmem:$0x4120] =	vst v2  }
0x67: {  	[tilespmem:$0x41A0] =	vst v1  }
0x68: {  	v1 =	vld [tilespmem:s9+$0xB0];
	_ =	sdelay $0x4  }
0x69: {  	v2 =	vshrl.u32 v1, $0xF  }
0x6a: {  	v1 =	vand.u32 $0x7FFF, v1;
	[tilespmem:$0x4130] =	vst v2  }
0x6b: {  	[tilespmem:$0x41B0] =	vst v1  }
0x6c: {  	v1 =	vld [tilespmem:s9+$0xC0];
	_ =	sdelay $0x4  }
0x6d: {  	v2 =	vshrl.u32 v1, $0xF  }
0x6e: {  	v1 =	vand.u32 $0x7FFF, v1;
	[tilespmem:$0x4140] =	vst v2  }
0x6f: {  	[tilespmem:$0x41C0] =	vst v1  }
0x70: {  	[tilespmem:s20], [sflag:$0x2] =	stream.indirect.gather [hbm4b:s1+s17], $0x80, s19, s17, $0xb8;
	[tilespmem:$0x1FB00] =	vst v63  }
0x71: {  	_ =	swait.ge [sflag:s21], $0x2800  }
0x72: {  	[sflag:s21] =	ssyncset.done $0x0  }
0x73: {  	s5 =	simm.s32 @!p0 $0x6;
	[sflag:s21] =	ssyncadd.s32 $0xFFFFD800  }
0x74: {  	[spmem:s2] =	stream.indirect.scatter.add.f32 [tilespmem:s15], [sflag:$0x4], $0x80, s22, s17, $0xb8;
	[tilespmem:$0x1FB00] =	vst v63  }
0x75: {  	_ =	swait.ge @!p0 [sflag:s5], $0x2800  }
0x76: {  	[sflag:s5] =	ssyncset.done @!p0 $0x0  }
0x77: {  	[sflag:s5] =	ssyncadd.s32 @!p0 $0xFFFFD800  }
0x78: {  	v1 =	vld [tilespmem:s9+$0x100];
	_ =	sdelay $0x4  }
0x79: {  	v2 =	vshrl.u32 v1, $0xF  }
0x7a: {  	v1 =	vand.u32 $0x7FFF, v1;
	[tilespmem:$0x4200] =	vst v2  }
0x7b: {  	[tilespmem:$0x4280] =	vst v1  }
0x7c: {  	v1 =	vld [tilespmem:s9+$0x110];
	_ =	sdelay $0x4  }
0x7d: {  	v2 =	vshrl.u32 v1, $0xF  }
0x7e: {  	v1 =	vand.u32 $0x7FFF, v1;
	[tilespmem:$0x4210] =	vst v2  }
0x7f: {  	[tilespmem:$0x4290] =	vst v1  }
0x80: {  	v1 =	vld [tilespmem:s9+$0x120];
	_ =	sdelay $0x4  }
0x81: {  	v2 =	vshrl.u32 v1, $0xF  }
0x82: {  	v1 =	vand.u32 $0x7FFF, v1;
	[tilespmem:$0x4220] =	vst v2  }
0x83: {  	[tilespmem:$0x42A0] =	vst v1  }
0x84: {  	v1 =	vld [tilespmem:s9+$0x130];
	_ =	sdelay $0x4  }
0x85: {  	v2 =	vshrl.u32 v1, $0xF  }
0x86: {  	v1 =	vand.u32 $0x7FFF, v1;
	[tilespmem:$0x4230] =	vst v2  }
0x87: {  	[tilespmem:$0x42B0] =	vst v1  }
0x88: {  	v1 =	vld [tilespmem:s9+$0x140];
	_ =	sdelay $0x4  }
0x89: {  	v2 =	vshrl.u32 v1, $0xF  }
0x8a: {  	v1 =	vand.u32 $0x7FFF, v1;
	[tilespmem:$0x4240] =	vst v2  }
0x8b: {  	[tilespmem:$0x42C0] =	vst v1  }
0x8c: {  	[tilespmem:s25], [sflag:$0x3] =	stream.indirect.gather [hbm4b:s1+s17], $0x80, s23, s17, $0xb8;
	[tilespmem:$0x1FB00] =	vst v63  }
0x8d: {  	_ =	swait.ge [sflag:s26], $0x2800  }
0x8e: {  	[sflag:s26] =	ssyncset.done $0x0  }
0x8f: {  	[sflag:s26] =	ssyncadd.s32 $0xFFFFD800  }
0x90: {  	[spmem:s2] =	stream.indirect.scatter.add.f32 [tilespmem:s20], [sflag:$0x5], $0x80, s28, s17, $0xb8;
	[tilespmem:$0x1FB00] =	vst v63  }
0x91: {  	_ =	swait.ge [sflag:s29], $0x2800  }
0x92: {  	p1 =	por $0x0, $0x0;
	[sflag:s29] =	ssyncset.done $0x0  }
0x93: {  	s7 =	simm.s32 @!p1 $0x0;
	[sflag:s29] =	ssyncadd.s32 $0xFFFFD800  }
0x94: {  	v1 =	vld @!p1 [tilespmem:s7+$0x180];
	_ =	sdelay $0x4  }
0x95: {  	v2 =	vshrl.u32 @!p1 v1, $0xF  }
0x96: {  	v1 =	vand.u32 @!p1 $0x7FFF, v1;
	[tilespmem:$0x4000] =	vst @!p1 v2  }
0x97: {  	[tilespmem:$0x4080] =	vst @!p1 v1  }
0x98: {  	v1 =	vld @!p1 [tilespmem:s7+$0x190];
	_ =	sdelay $0x4  }
0x99: {  	v2 =	vshrl.u32 @!p1 v1, $0xF  }
0x9a: {  	v1 =	vand.u32 @!p1 $0x7FFF, v1;
	[tilespmem:$0x4010] =	vst @!p1 v2  }
0x9b: {  	[tilespmem:$0x4090] =	vst @!p1 v1  }
0x9c: {  	v1 =	vld @!p1 [tilespmem:s7+$0x1A0];
	_ =	sdelay $0x4  }
0x9d: {  	v2 =	vshrl.u32 @!p1 v1, $0xF  }
0x9e: {  	v1 =	vand.u32 @!p1 $0x7FFF, v1;
	[tilespmem:$0x4020] =	vst @!p1 v2  }
0x9f: {  	[tilespmem:$0x40A0] =	vst @!p1 v1  }
0xa0: {  	s3 =	simm.s32 $0x600;
	v1 =	vld @!p1 [tilespmem:s7+$0x1B0]  }
.LBB2_4:
0xa1: {  	_ =	sdelay $0x2  }
0xa2: {  	s5 =	smov.u32 s3;
	s3 =	sadd.s32 $0x600, s3  }
0xa3: {  	p0 =	sne.s32 s3, $0xFC00;
	v2 =	vshrl.u32 @!p1 v1, $0xF;
	v1 =	vand.u32 @!p1 $0x7FFF, v1  }
0xa4: {  	[tilespmem:$0x4030] =	vst @!p1 v2  }
0xa5: {  	[tilespmem:$0x40B0] =	vst @!p1 v1  }
0xa6: {  	v1 =	vld @!p1 [tilespmem:s7+$0x1C0];
	_ =	sdelay $0x4  }
0xa7: {  	v2 =	vshrl.u32 @!p1 v1, $0xF;
	v1 =	vand.u32 @!p1 $0x7FFF, v1  }
0xa8: {  	[tilespmem:$0x4040] =	vst @!p1 v2  }
0xa9: {  	s8 =	simm.s32 @!p1 $0x4000;
	s9 =	simm.s32 @!p1 $0x4300;
	s7 =	simm.s32 @!p1 $0x50;
	[tilespmem:$0x40C0] =	vst @!p1 v1  }
0xaa: {  	[tilespmem:s9], [sflag:$0x1] =	stream.indirect.gather @!p1 [hbm4b:s1+s7], $0x80, s8, s7, $0xb8;
	[tilespmem:$0x1FB00] =	vst v63  }
0xab: {  	_ =	swait.ge [sflag:s30], $0x2800  }
0xac: {  	p1 =	seq.s32 s5, $0x0;
	[sflag:s30] =	ssyncset.done $0x0  }
0xad: {  	s7 =	simm.s32 @!p1 $0x5;
	[sflag:s30] =	ssyncadd.s32 $0xFFFFD800  }
0xae: {  	[spmem:s2] =	stream.indirect.scatter.add.f32 [tilespmem:s25], [sflag:$0x6], $0x80, s31, s17, $0xb8;
	[tilespmem:$0x1FB00] =	vst v63  }
0xaf: {  	_ =	swait.ge @!p1 [sflag:s7], $0x2800  }
0xb0: {  	[sflag:s7] =	ssyncset.done @!p1 $0x0  }
0xb1: {  	[sflag:s7] =	ssyncadd.s32 @!p1 $0xFFFFD800;
	s7 =	sshra.s32 s5, $0x2  }
0xb2: {  	v1 =	vld [tilespmem:s7+$0x80];
	_ =	sdelay $0x4  }
0xb3: {  	v2 =	vshrl.u32 v1, $0xF;
	v1 =	vand.u32 $0x7FFF, v1  }
0xb4: {  	[tilespmem:$0x4100] =	vst v2  }
0xb5: {  	[tilespmem:$0x4180] =	vst v1  }
0xb6: {  	v1 =	vld [tilespmem:s7+$0x90];
	_ =	sdelay $0x4  }
0xb7: {  	v2 =	vshrl.u32 v1, $0xF;
	v1 =	vand.u32 $0x7FFF, v1  }
0xb8: {  	[tilespmem:$0x4110] =	vst v2  }
0xb9: {  	[tilespmem:$0x4190] =	vst v1  }
0xba: {  	v1 =	vld [tilespmem:s7+$0xA0];
	_ =	sdelay $0x4  }
0xbb: {  	v2 =	vshrl.u32 v1, $0xF;
	v1 =	vand.u32 $0x7FFF, v1  }
0xbc: {  	[tilespmem:$0x4120] =	vst v2  }
0xbd: {  	[tilespmem:$0x41A0] =	vst v1  }
0xbe: {  	v1 =	vld [tilespmem:s7+$0xB0];
	_ =	sdelay $0x4  }
0xbf: {  	v2 =	vshrl.u32 v1, $0xF;
	v1 =	vand.u32 $0x7FFF, v1  }
0xc0: {  	[tilespmem:$0x4130] =	vst v2  }
0xc1: {  	[tilespmem:$0x41B0] =	vst v1  }
0xc2: {  	v1 =	vld [tilespmem:s7+$0xC0];
	_ =	sdelay $0x4  }
0xc3: {  	v2 =	vshrl.u32 v1, $0xF;
	v1 =	vand.u32 $0x7FFF, v1  }
0xc4: {  	[tilespmem:$0x4140] =	vst v2  }
0xc5: {  	[tilespmem:$0x41C0] =	vst v1  }
0xc6: {  	[tilespmem:s20], [sflag:$0x2] =	stream.indirect.gather [hbm4b:s1+s17], $0x80, s19, s17, $0xb8;
	[tilespmem:$0x1FB00] =	vst v63  }
0xc7: {  	_ =	swait.ge [sflag:s21], $0x2800  }
0xc8: {  	[sflag:s21] =	ssyncset.done $0x0  }
0xc9: {  	s8 =	simm.s32 @!p1 $0x6;
	[sflag:s21] =	ssyncadd.s32 $0xFFFFD800  }
0xca: {  	[spmem:s2] =	stream.indirect.scatter.add.f32 [tilespmem:s15], [sflag:$0x4], $0x80, s22, s17, $0xb8;
	[tilespmem:$0x1FB00] =	vst v63  }
0xcb: {  	_ =	swait.ge @!p1 [sflag:s8], $0x2800  }
0xcc: {  	[sflag:s8] =	ssyncset.done @!p1 $0x0  }
0xcd: {  	[sflag:s8] =	ssyncadd.s32 @!p1 $0xFFFFD800  }
0xce: {  	v1 =	vld [tilespmem:s7+$0x100];
	_ =	sdelay $0x4  }
0xcf: {  	v2 =	vshrl.u32 v1, $0xF;
	v1 =	vand.u32 $0x7FFF, v1  }
0xd0: {  	[tilespmem:$0x4200] =	vst v2  }
0xd1: {  	[tilespmem:$0x4280] =	vst v1  }
0xd2: {  	v1 =	vld [tilespmem:s7+$0x110];
	_ =	sdelay $0x4  }
0xd3: {  	v2 =	vshrl.u32 v1, $0xF;
	v1 =	vand.u32 $0x7FFF, v1  }
0xd4: {  	[tilespmem:$0x4210] =	vst v2  }
0xd5: {  	[tilespmem:$0x4290] =	vst v1  }
0xd6: {  	v1 =	vld [tilespmem:s7+$0x120];
	_ =	sdelay $0x4  }
0xd7: {  	v2 =	vshrl.u32 v1, $0xF;
	v1 =	vand.u32 $0x7FFF, v1  }
0xd8: {  	[tilespmem:$0x4220] =	vst v2  }
0xd9: {  	[tilespmem:$0x42A0] =	vst v1  }
0xda: {  	v1 =	vld [tilespmem:s7+$0x130];
	_ =	sdelay $0x4  }
0xdb: {  	v2 =	vshrl.u32 v1, $0xF;
	v1 =	vand.u32 $0x7FFF, v1  }
0xdc: {  	[tilespmem:$0x4230] =	vst v2  }
0xdd: {  	[tilespmem:$0x42B0] =	vst v1  }
0xde: {  	v1 =	vld [tilespmem:s7+$0x140];
	_ =	sdelay $0x4  }
0xdf: {  	v2 =	vshrl.u32 v1, $0xF;
	v1 =	vand.u32 $0x7FFF, v1  }
0xe0: {  	[tilespmem:$0x4240] =	vst v2  }
0xe1: {  	[tilespmem:$0x42C0] =	vst v1  }
0xe2: {  	[tilespmem:s25], [sflag:$0x3] =	stream.indirect.gather [hbm4b:s1+s17], $0x80, s23, s17, $0xb8;
	[tilespmem:$0x1FB00] =	vst v63  }
0xe3: {  	_ =	swait.ge [sflag:s26], $0x2800  }
0xe4: {  	[sflag:s26] =	ssyncset.done $0x0  }
0xe5: {  	[sflag:s26] =	ssyncadd.s32 $0xFFFFD800  }
0xe6: {  	[spmem:s2] =	stream.indirect.scatter.add.f32 [tilespmem:s20], [sflag:$0x5], $0x80, s28, s17, $0xb8;
	[tilespmem:$0x1FB00] =	vst v63  }
0xe7: {  	_ =	swait.ge [sflag:s29], $0x2800  }
0xe8: {  	p1 =	seq.s32 s5, $0xF600;
	[sflag:s29] =	ssyncset.done $0x0  }
0xe9: {  	s7 =	sshra.s32 @!p1 s5, $0x2;
	[sflag:s29] =	ssyncadd.s32 $0xFFFFD800  }
0xea: {  	v1 =	vld @!p1 [tilespmem:s7+$0x180];
	_ =	sdelay $0x4  }
0xeb: {  	v2 =	vshrl.u32 @!p1 v1, $0xF;
	v1 =	vand.u32 @!p1 $0x7FFF, v1  }
0xec: {  	[tilespmem:$0x4000] =	vst @!p1 v2  }
0xed: {  	[tilespmem:$0x4080] =	vst @!p1 v1  }
0xee: {  	v1 =	vld @!p1 [tilespmem:s7+$0x190];
	_ =	sdelay $0x4  }
0xef: {  	v2 =	vshrl.u32 @!p1 v1, $0xF;
	v1 =	vand.u32 @!p1 $0x7FFF, v1  }
0xf0: {  	[tilespmem:$0x4010] =	vst @!p1 v2  }
0xf1: {  	[tilespmem:$0x4090] =	vst @!p1 v1  }
0xf2: {  	v1 =	vld @!p1 [tilespmem:s7+$0x1A0];
	_ =	sdelay $0x3  }
.Ltmp1:
0xf3: {  	(pc) =	sbr.rel @p0 .LBB2_4-.Ltmp1, $4  }
0xf4: {  	v2 =	vshrl.u32 @!p1 v1, $0xF;
	v1 =	vand.u32 @!p1 $0x7FFF, v1  }
0xf5: {  	[tilespmem:$0x4020] =	vst @!p1 v2  }
0xf6: {  	[tilespmem:$0x40A0] =	vst @!p1 v1  }
0xf7: {  	v1 =	vld @!p1 [tilespmem:s7+$0x1B0]  }
0xf8: {  	_ =	sdelay $0x3  }
0xf9: {  	v2 =	vshrl.u32 @!p1 v1, $0xF  }
0xfa: {  	v1 =	vand.u32 @!p1 $0x7FFF, v1;
	[tilespmem:$0x4030] =	vst @!p1 v2  }
0xfb: {  	[tilespmem:$0x40B0] =	vst @!p1 v1  }
0xfc: {  	v1 =	vld @!p1 [tilespmem:s7+$0x1C0];
	_ =	sdelay $0x4  }
0xfd: {  	v2 =	vshrl.u32 @!p1 v1, $0xF  }
0xfe: {  	v1 =	vand.u32 @!p1 $0x7FFF, v1;
	[tilespmem:$0x4040] =	vst @!p1 v2  }
0xff: {  	s3 =	simm.s32 @!p1 $0x50;
	s5 =	simm.s32 @!p1 $0x4000;
	s7 =	simm.s32 @!p1 $0x4300;
	[tilespmem:$0x40C0] =	vst @!p1 v1  }
0x100: {  	[tilespmem:s7], [sflag:$0x1] =	stream.indirect.gather @!p1 [hbm4b:s1+s3], $0x80, s5, s3, $0xb8;
	[tilespmem:$0x1FB00] =	vst v63  }
0x101: {  	_ =	swait.ge [sflag:s30], $0x2800  }
0x102: {  	[sflag:s30] =	ssyncset.done $0x0  }
0x103: {  	[sflag:s30] =	ssyncadd.s32 $0xFFFFD800  }
0x104: {  	[spmem:s2] =	stream.indirect.scatter.add.f32 [tilespmem:s25], [sflag:$0x6], $0x80, s31, s17, $0xb8;
	[tilespmem:$0x1FB00] =	vst v63  }
0x105: {  	_ =	swait.ge [sflag:s0], $0x2800  }
0x106: {  	[sflag:s0] =	ssyncset.done $0x0  }
0x107: {  	[sflag:s0] =	ssyncadd.s32 $0xFFFFD800  }
0x108: {  	_ =	swait.ge [sflag:s18], $0x2800  }
0x109: {  	s7 =	stileid.u32;
	[sflag:s18] =	ssyncset.done $0x0  }
0x10a: {  	s3 =	sshll.u32 s7, $0x6;
	[sflag:s18] =	ssyncadd.s32 $0xFFFFD800  }
0x10b: {  	s8 =	sshrl.u32 s6, $0x3;
	s3 =	sor.u32 $0x1C07, s3;
	[bflag:$0x0] =	sbarrier.arrive $0xFFFF  }
0x10c: {  	[hbm:s24], [sflag:s3] =	dma.local [spmem:s8], $0x2800  }
0x10d: {  	_ =	swait.ge [sflag:s16], $0x2800  }
0x10e: {  	s4 =	sadd.s32 $0x1, s4;
	s9 =	rddreg [dreg:$0x5]  }
0x10f: {  	p0 =	sne.s32 s4, s9  }
.Ltmp2:
0x110: {  	_ = 	snop;
	(pc) =	sbr.rel @p0 .LBB2_1-.Ltmp2, $3  }
0x111: {  	_ =	sdelay $0x1  }
0x112: {  	[sflag:s16] =	ssyncset.done $0x0  }
0x113: {  	[sflag:s16] =	ssyncadd.s32 $0xFFFFD800  }
0x114: {  	_ =	sfence.sel $0x180000  }
0x115: {  	[bflag:$0x0] =	sbarrier.arrive $0xFFFF  }
0x116: {  	_ =	strace $0x90000047  }
0x117: {  	s0 =	stileid.u32;
	[bflag:$0x2] =	sbarrier.arrive $0xFFFF  }
0x118: {  	p0 =	sne.s32 s0, $0x0;
	s0 =	rddreg [dreg:$0x3]  }
0x119: {  	s0 =	sadd.s32 @!p0 $0x100000, s0  }
0x11a: {  	[sflag:s0] =	ssyncadd.tile.s32 @!p0 $0x1;
	_ =	shalt  }
.Lfunc_end2:
_tile_overlayer_lowered:
.L_overlay_start_2:
0x11b: {  	(tag) =	ssettag $0x2  }
0x11c: {  	s0 =	rddreg [dreg:$0x0];
	s2 =	stileid.u32  }
0x11d: {  	s1 =	rddreg [dreg:$0x1];
	p0 =	sne.s32 s2, $0x0  }
0x11e: {  	s3 =	rddreg [dreg:$0x2];
	[bflag:$0x3] =	sbarrier.arrive $0xFFFF;
	s2 =	simm.s32 @!p0 $0x1C07  }
0x11f: {  	[timem:s3], [sflag:s2] =	dma.local @!p0 [hbm:s0], s1  }
0x120: {  	s0 =	simm.s32 @!p0 $0x7  }
0x121: {  	_ =	swait.ge @!p0 [sflag:s0], s1  }
0x122: {  	s1 =	ssub.s32 @!p0 $0x0, s1;
	[sflag:s0] =	ssyncset.done @!p0 $0x0  }
0x123: {  	[sflag:s0] =	ssyncadd.s32 @!p0 s1  }
0x124: {  	[bflag:$0x3] =	sbarrier.arrive $0xFFFF  }
0x125: {  	_ =	shalt  }

</sc_bundles>
